<compile_context>
chip_gen: v7x
topology: tpu7x:2x2x1
jax: 0.10.2.dev20260603
libtpu: 0.0.44.dev20260713+nightly
codegen_flags: <defaults>
</compile_context>

<pallas_src>
import functools

import jax
import jax.numpy as jnp
from jax import lax
from jax.experimental import pallas as pl
from jax.experimental.pallas import tpu as pltpu
from jax.experimental.pallas import tpu_sc as plsc

D_MODEL = 1024
BATCH = 4
SEQ = 8192
B_TOTAL = BATCH * SEQ
NUM_CORES = 2
NUM_SUBCORES = 16
NW = NUM_CORES * NUM_SUBCORES
B_PER_W = B_TOTAL // NW
CHUNK = 16
N_CHUNKS = B_PER_W // CHUNK
NBUF = 4

_mesh = plsc.VectorSubcoreMesh(core_axis_name="c", subcore_axis_name="s")


@functools.partial(
    pl.kernel,
    mesh=_mesh,
    out_type=jax.ShapeDtypeStruct((B_TOTAL, D_MODEL), jnp.float32),
    scratch_types=[
        pltpu.VMEM((N_CHUNKS, CHUNK), jnp.int32),
        pltpu.VMEM((NBUF, CHUNK, D_MODEL), jnp.float32),
        pltpu.SemaphoreType.DMA((NBUF,)),
        pltpu.SemaphoreType.DMA((NBUF,)),
    ],
)
def _gather_rows(table_hbm, idx_hbm, out_hbm, idx_v, bufs, gsems, osems):
    wid = lax.axis_index("s") * NUM_CORES + lax.axis_index("c")
    base = wid * B_PER_W
    pltpu.sync_copy(idx_hbm.at[wid], idx_v)

    for b in range(NBUF - 1):
        pltpu.async_copy(table_hbm.at[idx_v.at[b]], bufs.at[b], gsems.at[b])

    def body(i, carry):
        for b in range(NBUF):
            g = NBUF * i + b
            prev = (b + NBUF - 1) % NBUF
            @pl.when(g > 0)
            def _():
                pltpu.make_async_copy(
                    bufs.at[prev],
                    out_hbm.at[pl.ds(base, CHUNK)],
                    osems.at[prev],
                ).wait()

            @pl.when(g + NBUF - 1 < N_CHUNKS)
            def _():
                pltpu.async_copy(
                    table_hbm.at[idx_v.at[g + NBUF - 1]],
                    bufs.at[prev],
                    gsems.at[prev],
                )

            pltpu.make_async_copy(
                table_hbm.at[idx_v.at[0]], bufs.at[b], gsems.at[b]
            ).wait()
            pltpu.async_copy(
                bufs.at[b],
                out_hbm.at[pl.ds(base + g * CHUNK, CHUNK)],
                osems.at[b],
            )
        return carry

    lax.fori_loop(0, N_CHUNKS // NBUF, body, 0)
    pltpu.make_async_copy(
        bufs.at[NBUF - 1], out_hbm.at[pl.ds(base, CHUNK)], osems.at[NBUF - 1]
    ).wait()


def kernel(pos_enc, x):
    idx = jnp.asarray(x, jnp.int32).reshape(NW, N_CHUNKS, CHUNK)
    out = _gather_rows(jnp.asarray(pos_enc, jnp.float32), idx)
    return out.reshape(BATCH, SEQ, D_MODEL)

# --- scband reference (transcript-rebuilt; emitter-appended) ---
"""Pipeline reference for scband-positional-encoding-14877766714127 (READ-ONLY COPY).

The authoritative reference and input builder live on the scoring server;
editing this copy changes nothing except your own understanding.
"""

import jax, jax.numpy as jnp
import numpy as np

D_MODEL = 1024
MAXLEN = 8192
MIN_FREQ = 0.0001


def _get_pos_enc(d_model, maxlen, min_freq):
    position = np.arange(maxlen)
    freqs = min_freq ** (2 * (np.arange(d_model) // 2) / d_model)
    pos_enc = position[:, None] * freqs[None]
    pos_enc[:, ::2] = np.cos(pos_enc[:, ::2])
    pos_enc[:, 1::2] = np.sin(pos_enc[:, 1::2])
    return pos_enc.astype(np.float32)


def setup_inputs(seed: int = 0) -> dict:
    key = jax.random.key(seed)
    x = jax.random.randint(key, (4, 8192), 0, MAXLEN)
    pos_enc = jnp.asarray(_get_pos_enc(D_MODEL, MAXLEN, MIN_FREQ))
    return {"pos_enc": pos_enc, "x": x}


def reference(pos_enc, x):
    # gather rows of the positional-encoding table: pos_enc[x]
    return jnp.take(pos_enc, x, axis=0)

if __name__ == "__main__":
    import jax
    _d = setup_inputs()
    print(jax.jit(kernel)(*tuple(_d.values())))

</pallas_src>

<mosaic_0001>
#map = affine_map<(d0, d1) -> (0, 0)>
#map1 = affine_map<(d0, d1) -> (0, 0, 0)>
module attributes {stable_mosaic.version = 14 : i64} {
  func.func @_gather_rows(%arg0: i32, %arg1: i32, %arg2: memref<8192x1024xf32, #tpu.memory_space<hbm>>, %arg3: memref<32x64x16xi32, #tpu.memory_space<hbm>>, %arg4: memref<32768x1024xf32, #tpu.memory_space<hbm>>, %arg5: memref<64x16xi32, #tpu.memory_space<vmem>>, %arg6: memref<4x16x1024xf32, #tpu.memory_space<vmem>>, %arg7: memref<4x!tpu.dma_semaphore, #tpu.memory_space<semaphore_mem>>, %arg8: memref<4x!tpu.dma_semaphore, #tpu.memory_space<semaphore_mem>>) attributes {dimension_semantics = [#tpu.dimension_semantics<core_parallel>, #tpu.dimension_semantics<subcore_parallel>], iteration_bounds = array<i64: 2, 16>, scalar_prefetch = 0 : i64, scratch_operands = 4 : i64, tpu.core_type = #tpu.core_type<sc_vector_subcore>, window_params = [{transform_indices = #map}, {transform_indices = #map1}, {transform_indices = #map}]} {
    %mul3A = arith.constant 2 : i32
    %mul3A_0 = arith.muli %arg1, %mul3A : i32
    %add3A = arith.addi %mul3A_0, %arg0 : i32
    %mul3A_1 = arith.constant 1024 : i32
    %mul3A_2 = arith.muli %add3A, %mul3A_1 : i32
    "tpu.region"() ({
      %run_scoped3A = tpu.sem_alloc : memref<!tpu.dma_semaphore, #tpu.memory_space<semaphore_mem>>
      %dma_start3A_67 = arith.constant 0 : i32
      %dma_start3A_68 = arith.constant 0 : i32
      %dma_start3A_69 = tpu.memref_slice %arg3[%add3A, %dma_start3A_67, %dma_start3A_68] : memref<32x64x16xi32, #tpu.memory_space<hbm>> -> memref<1x64x16xi32, #tpu.memory_space<hbm>>
      %dma_start3A_70 = tpu.memref_squeeze %dma_start3A_69 : memref<1x64x16xi32, #tpu.memory_space<hbm>> -> memref<64x16xi32, #tpu.memory_space<hbm>>
      %dma_start3A_71 = arith.constant 0 : i32
      %dma_start3A_72 = arith.constant 0 : i32
      %dma_start3A_73 = tpu.memref_slice %arg3[%add3A, %dma_start3A_71, %dma_start3A_72] : memref<32x64x16xi32, #tpu.memory_space<hbm>> -> memref<1x64x16xi32, #tpu.memory_space<hbm>>
      %dma_start3A_74 = tpu.memref_squeeze %dma_start3A_73 : memref<1x64x16xi32, #tpu.memory_space<hbm>> -> memref<64x16xi32, #tpu.memory_space<hbm>>
      tpu.enqueue_dma source(%dma_start3A_74 : memref<64x16xi32, #tpu.memory_space<hbm>>) target(%arg5 : memref<64x16xi32, #tpu.memory_space<vmem>>) target_semaphore(%run_scoped3A : memref<!tpu.dma_semaphore, #tpu.memory_space<semaphore_mem>>)
      %dma_wait3A_75 = arith.constant 0 : i32
      %dma_wait3A_76 = arith.constant 0 : i32
      %dma_wait3A_77 = tpu.memref_slice %arg3[%add3A, %dma_wait3A_75, %dma_wait3A_76] : memref<32x64x16xi32, #tpu.memory_space<hbm>> -> memref<1x64x16xi32, #tpu.memory_space<hbm>>
      %dma_wait3A_78 = tpu.memref_squeeze %dma_wait3A_77 : memref<1x64x16xi32, #tpu.memory_space<hbm>> -> memref<64x16xi32, #tpu.memory_space<hbm>>
      %dma_wait3A_79 = arith.constant 0 : i32
      %dma_wait3A_80 = arith.constant 0 : i32
      %dma_wait3A_81 = tpu.memref_slice %arg3[%add3A, %dma_wait3A_79, %dma_wait3A_80] : memref<32x64x16xi32, #tpu.memory_space<hbm>> -> memref<1x64x16xi32, #tpu.memory_space<hbm>>
      %dma_wait3A_82 = tpu.memref_squeeze %dma_wait3A_81 : memref<1x64x16xi32, #tpu.memory_space<hbm>> -> memref<64x16xi32, #tpu.memory_space<hbm>>
      tpu.wait_dma2 semaphore(%run_scoped3A : memref<!tpu.dma_semaphore, #tpu.memory_space<semaphore_mem>>) src(%dma_wait3A_82 : memref<64x16xi32, #tpu.memory_space<hbm>>) dst(%arg5 : memref<64x16xi32, #tpu.memory_space<vmem>>)
      tpu.yield
    }) : () -> ()
    %dma_start3A = arith.constant 0 : i32
    %dma_start3A_3 = arith.constant 0 : i32
    %dma_start3A_4 = arith.constant 0 : i32
    %dma_start3A_5 = arith.constant 0 : i32
    %dma_start3A_6 = arith.constant 0 : i32
    %dma_start3A_7 = tpu.memref_slice %arg6[%dma_start3A_3, %dma_start3A_5, %dma_start3A_6] : memref<4x16x1024xf32, #tpu.memory_space<vmem>> -> memref<1x16x1024xf32, #tpu.memory_space<vmem>>
    %dma_start3A_8 = tpu.memref_squeeze %dma_start3A_7 : memref<1x16x1024xf32, #tpu.memory_space<vmem>> -> memref<16x1024xf32, #tpu.memory_space<vmem>>
    %dma_start3A_9 = arith.constant 0 : i32
    %dma_start3A_10 = tpu.memref_slice %arg5[%dma_start3A, %dma_start3A_9] : memref<64x16xi32, #tpu.memory_space<vmem>> -> memref<1x16xi32, #tpu.memory_space<vmem>>
    %dma_start3A_11 = tpu.memref_squeeze %dma_start3A_10 : memref<1x16xi32, #tpu.memory_space<vmem>> -> memref<16xi32, #tpu.memory_space<vmem>>
    %dma_start3A_12 = arith.constant 0 : i32
    %dma_start3A_13 = arith.constant 0 : i32
    %dma_start3A_14 = tpu.memref_slice %arg2[%dma_start3A_12, %dma_start3A_13] : memref<8192x1024xf32, #tpu.memory_space<hbm>> -> memref<8192x1024xf32, #tpu.memory_space<hbm>>
    %dma_start3A_15 = tpu.memref_slice %arg7[%dma_start3A_4] : memref<4x!tpu.dma_semaphore, #tpu.memory_space<semaphore_mem>> -> memref<1x!tpu.dma_semaphore, #tpu.memory_space<semaphore_mem>>
    %dma_start3A_16 = tpu.memref_squeeze %dma_start3A_15 : memref<1x!tpu.dma_semaphore, #tpu.memory_space<semaphore_mem>> -> memref<!tpu.dma_semaphore, #tpu.memory_space<semaphore_mem>>
    tpu.enqueue_indirect_dma source(%dma_start3A_14 : memref<8192x1024xf32, #tpu.memory_space<hbm>>) target(%dma_start3A_8 : memref<16x1024xf32, #tpu.memory_space<vmem>>) offsets(%dma_start3A_11 : memref<16xi32, #tpu.memory_space<vmem>>) semaphore(%dma_start3A_16 : memref<!tpu.dma_semaphore, #tpu.memory_space<semaphore_mem>>)
    %dma_start3A_17 = arith.constant 1 : i32
    %dma_start3A_18 = arith.constant 1 : i32
    %dma_start3A_19 = arith.constant 1 : i32
    %dma_start3A_20 = arith.constant 0 : i32
    %dma_start3A_21 = arith.constant 0 : i32
    %dma_start3A_22 = tpu.memref_slice %arg6[%dma_start3A_18, %dma_start3A_20, %dma_start3A_21] : memref<4x16x1024xf32, #tpu.memory_space<vmem>> -> memref<1x16x1024xf32, #tpu.memory_space<vmem>>
    %dma_start3A_23 = tpu.memref_squeeze %dma_start3A_22 : memref<1x16x1024xf32, #tpu.memory_space<vmem>> -> memref<16x1024xf32, #tpu.memory_space<vmem>>
    %dma_start3A_24 = arith.constant 0 : i32
    %dma_start3A_25 = tpu.memref_slice %arg5[%dma_start3A_17, %dma_start3A_24] : memref<64x16xi32, #tpu.memory_space<vmem>> -> memref<1x16xi32, #tpu.memory_space<vmem>>
    %dma_start3A_26 = tpu.memref_squeeze %dma_start3A_25 : memref<1x16xi32, #tpu.memory_space<vmem>> -> memref<16xi32, #tpu.memory_space<vmem>>
    %dma_start3A_27 = arith.constant 0 : i32
    %dma_start3A_28 = arith.constant 0 : i32
    %dma_start3A_29 = tpu.memref_slice %arg2[%dma_start3A_27, %dma_start3A_28] : memref<8192x1024xf32, #tpu.memory_space<hbm>> -> memref<8192x1024xf32, #tpu.memory_space<hbm>>
    %dma_start3A_30 = tpu.memref_slice %arg7[%dma_start3A_19] : memref<4x!tpu.dma_semaphore, #tpu.memory_space<semaphore_mem>> -> memref<1x!tpu.dma_semaphore, #tpu.memory_space<semaphore_mem>>
    %dma_start3A_31 = tpu.memref_squeeze %dma_start3A_30 : memref<1x!tpu.dma_semaphore, #tpu.memory_space<semaphore_mem>> -> memref<!tpu.dma_semaphore, #tpu.memory_space<semaphore_mem>>
    tpu.enqueue_indirect_dma source(%dma_start3A_29 : memref<8192x1024xf32, #tpu.memory_space<hbm>>) target(%dma_start3A_23 : memref<16x1024xf32, #tpu.memory_space<vmem>>) offsets(%dma_start3A_26 : memref<16xi32, #tpu.memory_space<vmem>>) semaphore(%dma_start3A_31 : memref<!tpu.dma_semaphore, #tpu.memory_space<semaphore_mem>>)
    %dma_start3A_32 = arith.constant 2 : i32
    %dma_start3A_33 = arith.constant 2 : i32
    %dma_start3A_34 = arith.constant 2 : i32
    %dma_start3A_35 = arith.constant 0 : i32
    %dma_start3A_36 = arith.constant 0 : i32
    %dma_start3A_37 = tpu.memref_slice %arg6[%dma_start3A_33, %dma_start3A_35, %dma_start3A_36] : memref<4x16x1024xf32, #tpu.memory_space<vmem>> -> memref<1x16x1024xf32, #tpu.memory_space<vmem>>
    %dma_start3A_38 = tpu.memref_squeeze %dma_start3A_37 : memref<1x16x1024xf32, #tpu.memory_space<vmem>> -> memref<16x1024xf32, #tpu.memory_space<vmem>>
    %dma_start3A_39 = arith.constant 0 : i32
    %dma_start3A_40 = tpu.memref_slice %arg5[%dma_start3A_32, %dma_start3A_39] : memref<64x16xi32, #tpu.memory_space<vmem>> -> memref<1x16xi32, #tpu.memory_space<vmem>>
    %dma_start3A_41 = tpu.memref_squeeze %dma_start3A_40 : memref<1x16xi32, #tpu.memory_space<vmem>> -> memref<16xi32, #tpu.memory_space<vmem>>
    %dma_start3A_42 = arith.constant 0 : i32
    %dma_start3A_43 = arith.constant 0 : i32
    %dma_start3A_44 = tpu.memref_slice %arg2[%dma_start3A_42, %dma_start3A_43] : memref<8192x1024xf32, #tpu.memory_space<hbm>> -> memref<8192x1024xf32, #tpu.memory_space<hbm>>
    %dma_start3A_45 = tpu.memref_slice %arg7[%dma_start3A_34] : memref<4x!tpu.dma_semaphore, #tpu.memory_space<semaphore_mem>> -> memref<1x!tpu.dma_semaphore, #tpu.memory_space<semaphore_mem>>
    %dma_start3A_46 = tpu.memref_squeeze %dma_start3A_45 : memref<1x!tpu.dma_semaphore, #tpu.memory_space<semaphore_mem>> -> memref<!tpu.dma_semaphore, #tpu.memory_space<semaphore_mem>>
    tpu.enqueue_indirect_dma source(%dma_start3A_44 : memref<8192x1024xf32, #tpu.memory_space<hbm>>) target(%dma_start3A_38 : memref<16x1024xf32, #tpu.memory_space<vmem>>) offsets(%dma_start3A_41 : memref<16xi32, #tpu.memory_space<vmem>>) semaphore(%dma_start3A_46 : memref<!tpu.dma_semaphore, #tpu.memory_space<semaphore_mem>>)
    %scan3A = arith.constant 0 : i32
    %scan3A_47 = arith.constant 0 : i32
    %scan3A_48 = arith.constant 16 : i32
    %scan3A_49 = arith.addi %scan3A_47, %scan3A_48 : i32
    %scan3A_50 = arith.constant 1 : i32
    scf.for %scan3A_67 = %scan3A_47 to %scan3A_49 step %scan3A_50  : i32 {
      %mul3A_68 = arith.constant 4 : i32
      %mul3A_69 = arith.muli %mul3A_68, %scan3A_67 : i32
      %add3A_70 = arith.constant 0 : i32
      %add3A_71 = arith.addi %mul3A_69, %add3A_70 : i32
      %gt3A = arith.constant 0 : i32
      %gt3A_72 = arith.cmpi sgt, %add3A_71, %gt3A : i32
      %convert_element_type3A = arith.extui %gt3A_72 : i1 to i32
      %cond3A = arith.constant 0 : i32
      %cond3A_73 = arith.cmpi ne, %convert_element_type3A, %cond3A : i32
      scf.if %cond3A_73 {
        %dma_wait3A_271 = arith.constant 3 : i32
        %dma_wait3A_272 = arith.constant 3 : i32
        %dma_wait3A_273 = arith.constant 0 : i32
        %dma_wait3A_274 = arith.constant 0 : i32
        %dma_wait3A_275 = tpu.memref_slice %arg6[%dma_wait3A_271, %dma_wait3A_273, %dma_wait3A_274] : memref<4x16x1024xf32, #tpu.memory_space<vmem>> -> memref<1x16x1024xf32, #tpu.memory_space<vmem>>
        %dma_wait3A_276 = tpu.memref_squeeze %dma_wait3A_275 : memref<1x16x1024xf32, #tpu.memory_space<vmem>> -> memref<16x1024xf32, #tpu.memory_space<vmem>>
        %dma_wait3A_277 = arith.constant 0 : i32
        %dma_wait3A_278 = tpu.memref_slice %arg4[%mul3A_2, %dma_wait3A_277] : memref<32768x1024xf32, #tpu.memory_space<hbm>> -> memref<16x1024xf32, #tpu.memory_space<hbm>>
        %dma_wait3A_279 = tpu.memref_slice %arg8[%dma_wait3A_272] : memref<4x!tpu.dma_semaphore, #tpu.memory_space<semaphore_mem>> -> memref<1x!tpu.dma_semaphore, #tpu.memory_space<semaphore_mem>>
        %dma_wait3A_280 = tpu.memref_squeeze %dma_wait3A_279 : memref<1x!tpu.dma_semaphore, #tpu.memory_space<semaphore_mem>> -> memref<!tpu.dma_semaphore, #tpu.memory_space<semaphore_mem>>
        %dma_wait3A_281 = arith.constant 0 : i32
        %dma_wait3A_282 = tpu.memref_slice %arg4[%mul3A_2, %dma_wait3A_281] : memref<32768x1024xf32, #tpu.memory_space<hbm>> -> memref<16x1024xf32, #tpu.memory_space<hbm>>
        %dma_wait3A_283 = arith.constant 0 : i32
        %dma_wait3A_284 = arith.constant 0 : i32
        %dma_wait3A_285 = tpu.memref_slice %arg6[%dma_wait3A_271, %dma_wait3A_283, %dma_wait3A_284] : memref<4x16x1024xf32, #tpu.memory_space<vmem>> -> memref<1x16x1024xf32, #tpu.memory_space<vmem>>
        %dma_wait3A_286 = tpu.memref_squeeze %dma_wait3A_285 : memref<1x16x1024xf32, #tpu.memory_space<vmem>> -> memref<16x1024xf32, #tpu.memory_space<vmem>>
        tpu.wait_dma2 semaphore(%dma_wait3A_280 : memref<!tpu.dma_semaphore, #tpu.memory_space<semaphore_mem>>) src(%dma_wait3A_286 : memref<16x1024xf32, #tpu.memory_space<vmem>>) dst(%dma_wait3A_282 : memref<16x1024xf32, #tpu.memory_space<hbm>>)
      } else {
      }
      %add3A_74 = arith.constant 4 : i32
      %add3A_75 = arith.addi %add3A_71, %add3A_74 : i32
      %sub3A = arith.constant 1 : i32
      %sub3A_76 = arith.subi %add3A_75, %sub3A : i32
      %lt3A = arith.constant 64 : i32
      %lt3A_77 = arith.cmpi slt, %sub3A_76, %lt3A : i32
      %convert_element_type3A_78 = arith.extui %lt3A_77 : i1 to i32
      %cond3A_79 = arith.constant 0 : i32
      %cond3A_80 = arith.cmpi ne, %convert_element_type3A_78, %cond3A_79 : i32
      scf.if %cond3A_80 {
        %add3A_271 = arith.constant 4 : i32
        %add3A_272 = arith.addi %add3A_71, %add3A_271 : i32
        %sub3A_273 = arith.constant 1 : i32
        %sub3A_274 = arith.subi %add3A_272, %sub3A_273 : i32
        %dma_start3A_275 = arith.constant 3 : i32
        %dma_start3A_276 = arith.constant 3 : i32
        %dma_start3A_277 = arith.constant 0 : i32
        %dma_start3A_278 = arith.constant 0 : i32
        %dma_start3A_279 = tpu.memref_slice %arg6[%dma_start3A_275, %dma_start3A_277, %dma_start3A_278] : memref<4x16x1024xf32, #tpu.memory_space<vmem>> -> memref<1x16x1024xf32, #tpu.memory_space<vmem>>
        %dma_start3A_280 = tpu.memref_squeeze %dma_start3A_279 : memref<1x16x1024xf32, #tpu.memory_space<vmem>> -> memref<16x1024xf32, #tpu.memory_space<vmem>>
        %dma_start3A_281 = arith.constant 0 : i32
        %dma_start3A_282 = tpu.memref_slice %arg5[%sub3A_274, %dma_start3A_281] : memref<64x16xi32, #tpu.memory_space<vmem>> -> memref<1x16xi32, #tpu.memory_space<vmem>>
        %dma_start3A_283 = tpu.memref_squeeze %dma_start3A_282 : memref<1x16xi32, #tpu.memory_space<vmem>> -> memref<16xi32, #tpu.memory_space<vmem>>
        %dma_start3A_284 = arith.constant 0 : i32
        %dma_start3A_285 = arith.constant 0 : i32
        %dma_start3A_286 = tpu.memref_slice %arg2[%dma_start3A_284, %dma_start3A_285] : memref<8192x1024xf32, #tpu.memory_space<hbm>> -> memref<8192x1024xf32, #tpu.memory_space<hbm>>
        %dma_start3A_287 = tpu.memref_slice %arg7[%dma_start3A_276] : memref<4x!tpu.dma_semaphore, #tpu.memory_space<semaphore_mem>> -> memref<1x!tpu.dma_semaphore, #tpu.memory_space<semaphore_mem>>
        %dma_start3A_288 = tpu.memref_squeeze %dma_start3A_287 : memref<1x!tpu.dma_semaphore, #tpu.memory_space<semaphore_mem>> -> memref<!tpu.dma_semaphore, #tpu.memory_space<semaphore_mem>>
        tpu.enqueue_indirect_dma source(%dma_start3A_286 : memref<8192x1024xf32, #tpu.memory_space<hbm>>) target(%dma_start3A_280 : memref<16x1024xf32, #tpu.memory_space<vmem>>) offsets(%dma_start3A_283 : memref<16xi32, #tpu.memory_space<vmem>>) semaphore(%dma_start3A_288 : memref<!tpu.dma_semaphore, #tpu.memory_space<semaphore_mem>>)
      } else {
      }
      %dma_wait3A_81 = arith.constant 0 : i32
      %dma_wait3A_82 = arith.constant 0 : i32
      %dma_wait3A_83 = arith.constant 0 : i32
      %dma_wait3A_84 = arith.constant 0 : i32
      %dma_wait3A_85 = arith.constant 0 : i32
      %dma_wait3A_86 = tpu.memref_slice %arg6[%dma_wait3A_82, %dma_wait3A_84, %dma_wait3A_85] : memref<4x16x1024xf32, #tpu.memory_space<vmem>> -> memref<1x16x1024xf32, #tpu.memory_space<vmem>>
      %dma_wait3A_87 = tpu.memref_squeeze %dma_wait3A_86 : memref<1x16x1024xf32, #tpu.memory_space<vmem>> -> memref<16x1024xf32, #tpu.memory_space<vmem>>
      %dma_wait3A_88 = arith.constant 0 : i32
      %dma_wait3A_89 = tpu.memref_slice %arg5[%dma_wait3A_81, %dma_wait3A_88] : memref<64x16xi32, #tpu.memory_space<vmem>> -> memref<1x16xi32, #tpu.memory_space<vmem>>
      %dma_wait3A_90 = tpu.memref_squeeze %dma_wait3A_89 : memref<1x16xi32, #tpu.memory_space<vmem>> -> memref<16xi32, #tpu.memory_space<vmem>>
      %dma_wait3A_91 = arith.constant 0 : i32
      %dma_wait3A_92 = arith.constant 0 : i32
      %dma_wait3A_93 = tpu.memref_slice %arg2[%dma_wait3A_91, %dma_wait3A_92] : memref<8192x1024xf32, #tpu.memory_space<hbm>> -> memref<8192x1024xf32, #tpu.memory_space<hbm>>
      %dma_wait3A_94 = tpu.memref_slice %arg7[%dma_wait3A_83] : memref<4x!tpu.dma_semaphore, #tpu.memory_space<semaphore_mem>> -> memref<1x!tpu.dma_semaphore, #tpu.memory_space<semaphore_mem>>
      %dma_wait3A_95 = tpu.memref_squeeze %dma_wait3A_94 : memref<1x!tpu.dma_semaphore, #tpu.memory_space<semaphore_mem>> -> memref<!tpu.dma_semaphore, #tpu.memory_space<semaphore_mem>>
      tpu.wait_indirect_dma semaphore(%dma_wait3A_95 : memref<!tpu.dma_semaphore, #tpu.memory_space<semaphore_mem>>) src(%dma_wait3A_93 : memref<8192x1024xf32, #tpu.memory_space<hbm>>) dst(%dma_wait3A_87 : memref<16x1024xf32, #tpu.memory_space<vmem>>)
      %mul3A_96 = arith.constant 16 : i32
      %mul3A_97 = arith.muli %add3A_71, %mul3A_96 : i32
      %add3A_98 = arith.addi %mul3A_2, %mul3A_97 : i32
      %dma_start3A_99 = arith.constant 0 : i32
      %dma_start3A_100 = arith.constant 0 : i32
      %dma_start3A_101 = arith.constant 0 : i32
      %dma_start3A_102 = arith.constant 0 : i32
      %dma_start3A_103 = tpu.memref_slice %arg6[%dma_start3A_99, %dma_start3A_101, %dma_start3A_102] : memref<4x16x1024xf32, #tpu.memory_space<vmem>> -> memref<1x16x1024xf32, #tpu.memory_space<vmem>>
      %dma_start3A_104 = tpu.memref_squeeze %dma_start3A_103 : memref<1x16x1024xf32, #tpu.memory_space<vmem>> -> memref<16x1024xf32, #tpu.memory_space<vmem>>
      %dma_start3A_105 = arith.constant 0 : i32
      %dma_start3A_106 = tpu.memref_slice %arg4[%add3A_98, %dma_start3A_105] : memref<32768x1024xf32, #tpu.memory_space<hbm>> -> memref<16x1024xf32, #tpu.memory_space<hbm>>
      %dma_start3A_107 = tpu.memref_slice %arg8[%dma_start3A_100] : memref<4x!tpu.dma_semaphore, #tpu.memory_space<semaphore_mem>> -> memref<1x!tpu.dma_semaphore, #tpu.memory_space<semaphore_mem>>
      %dma_start3A_108 = tpu.memref_squeeze %dma_start3A_107 : memref<1x!tpu.dma_semaphore, #tpu.memory_space<semaphore_mem>> -> memref<!tpu.dma_semaphore, #tpu.memory_space<semaphore_mem>>
      %dma_start3A_109 = arith.constant 0 : i32
      %dma_start3A_110 = tpu.memref_slice %arg4[%add3A_98, %dma_start3A_109] : memref<32768x1024xf32, #tpu.memory_space<hbm>> -> memref<16x1024xf32, #tpu.memory_space<hbm>>
      %dma_start3A_111 = arith.constant 0 : i32
      %dma_start3A_112 = arith.constant 0 : i32
      %dma_start3A_113 = tpu.memref_slice %arg6[%dma_start3A_99, %dma_start3A_111, %dma_start3A_112] : memref<4x16x1024xf32, #tpu.memory_space<vmem>> -> memref<1x16x1024xf32, #tpu.memory_space<vmem>>
      %dma_start3A_114 = tpu.memref_squeeze %dma_start3A_113 : memref<1x16x1024xf32, #tpu.memory_space<vmem>> -> memref<16x1024xf32, #tpu.memory_space<vmem>>
      tpu.enqueue_dma source(%dma_start3A_114 : memref<16x1024xf32, #tpu.memory_space<vmem>>) target(%dma_start3A_110 : memref<16x1024xf32, #tpu.memory_space<hbm>>) target_semaphore(%dma_start3A_108 : memref<!tpu.dma_semaphore, #tpu.memory_space<semaphore_mem>>)
      %mul3A_115 = arith.constant 4 : i32
      %mul3A_116 = arith.muli %mul3A_115, %scan3A_67 : i32
      %add3A_117 = arith.constant 1 : i32
      %add3A_118 = arith.addi %mul3A_116, %add3A_117 : i32
      %gt3A_119 = arith.constant 0 : i32
      %gt3A_120 = arith.cmpi sgt, %add3A_118, %gt3A_119 : i32
      %convert_element_type3A_121 = arith.extui %gt3A_120 : i1 to i32
      %cond3A_122 = arith.constant 0 : i32
      %cond3A_123 = arith.cmpi ne, %convert_element_type3A_121, %cond3A_122 : i32
      scf.if %cond3A_123 {
        %dma_wait3A_271 = arith.constant 0 : i32
        %dma_wait3A_272 = arith.constant 0 : i32
        %dma_wait3A_273 = arith.constant 0 : i32
        %dma_wait3A_274 = arith.constant 0 : i32
        %dma_wait3A_275 = tpu.memref_slice %arg6[%dma_wait3A_271, %dma_wait3A_273, %dma_wait3A_274] : memref<4x16x1024xf32, #tpu.memory_space<vmem>> -> memref<1x16x1024xf32, #tpu.memory_space<vmem>>
        %dma_wait3A_276 = tpu.memref_squeeze %dma_wait3A_275 : memref<1x16x1024xf32, #tpu.memory_space<vmem>> -> memref<16x1024xf32, #tpu.memory_space<vmem>>
        %dma_wait3A_277 = arith.constant 0 : i32
        %dma_wait3A_278 = tpu.memref_slice %arg4[%mul3A_2, %dma_wait3A_277] : memref<32768x1024xf32, #tpu.memory_space<hbm>> -> memref<16x1024xf32, #tpu.memory_space<hbm>>
        %dma_wait3A_279 = tpu.memref_slice %arg8[%dma_wait3A_272] : memref<4x!tpu.dma_semaphore, #tpu.memory_space<semaphore_mem>> -> memref<1x!tpu.dma_semaphore, #tpu.memory_space<semaphore_mem>>
        %dma_wait3A_280 = tpu.memref_squeeze %dma_wait3A_279 : memref<1x!tpu.dma_semaphore, #tpu.memory_space<semaphore_mem>> -> memref<!tpu.dma_semaphore, #tpu.memory_space<semaphore_mem>>
        %dma_wait3A_281 = arith.constant 0 : i32
        %dma_wait3A_282 = tpu.memref_slice %arg4[%mul3A_2, %dma_wait3A_281] : memref<32768x1024xf32, #tpu.memory_space<hbm>> -> memref<16x1024xf32, #tpu.memory_space<hbm>>
        %dma_wait3A_283 = arith.constant 0 : i32
        %dma_wait3A_284 = arith.constant 0 : i32
        %dma_wait3A_285 = tpu.memref_slice %arg6[%dma_wait3A_271, %dma_wait3A_283, %dma_wait3A_284] : memref<4x16x1024xf32, #tpu.memory_space<vmem>> -> memref<1x16x1024xf32, #tpu.memory_space<vmem>>
        %dma_wait3A_286 = tpu.memref_squeeze %dma_wait3A_285 : memref<1x16x1024xf32, #tpu.memory_space<vmem>> -> memref<16x1024xf32, #tpu.memory_space<vmem>>
        tpu.wait_dma2 semaphore(%dma_wait3A_280 : memref<!tpu.dma_semaphore, #tpu.memory_space<semaphore_mem>>) src(%dma_wait3A_286 : memref<16x1024xf32, #tpu.memory_space<vmem>>) dst(%dma_wait3A_282 : memref<16x1024xf32, #tpu.memory_space<hbm>>)
      } else {
      }
      %add3A_124 = arith.constant 4 : i32
      %add3A_125 = arith.addi %add3A_118, %add3A_124 : i32
      %sub3A_126 = arith.constant 1 : i32
      %sub3A_127 = arith.subi %add3A_125, %sub3A_126 : i32
      %lt3A_128 = arith.constant 64 : i32
      %lt3A_129 = arith.cmpi slt, %sub3A_127, %lt3A_128 : i32
      %convert_element_type3A_130 = arith.extui %lt3A_129 : i1 to i32
      %cond3A_131 = arith.constant 0 : i32
      %cond3A_132 = arith.cmpi ne, %convert_element_type3A_130, %cond3A_131 : i32
      scf.if %cond3A_132 {
        %add3A_271 = arith.constant 4 : i32
        %add3A_272 = arith.addi %add3A_118, %add3A_271 : i32
        %sub3A_273 = arith.constant 1 : i32
        %sub3A_274 = arith.subi %add3A_272, %sub3A_273 : i32
        %dma_start3A_275 = arith.constant 0 : i32
        %dma_start3A_276 = arith.constant 0 : i32
        %dma_start3A_277 = arith.constant 0 : i32
        %dma_start3A_278 = arith.constant 0 : i32
        %dma_start3A_279 = tpu.memref_slice %arg6[%dma_start3A_275, %dma_start3A_277, %dma_start3A_278] : memref<4x16x1024xf32, #tpu.memory_space<vmem>> -> memref<1x16x1024xf32, #tpu.memory_space<vmem>>
        %dma_start3A_280 = tpu.memref_squeeze %dma_start3A_279 : memref<1x16x1024xf32, #tpu.memory_space<vmem>> -> memref<16x1024xf32, #tpu.memory_space<vmem>>
        %dma_start3A_281 = arith.constant 0 : i32
        %dma_start3A_282 = tpu.memref_slice %arg5[%sub3A_274, %dma_start3A_281] : memref<64x16xi32, #tpu.memory_space<vmem>> -> memref<1x16xi32, #tpu.memory_space<vmem>>
        %dma_start3A_283 = tpu.memref_squeeze %dma_start3A_282 : memref<1x16xi32, #tpu.memory_space<vmem>> -> memref<16xi32, #tpu.memory_space<vmem>>
        %dma_start3A_284 = arith.constant 0 : i32
        %dma_start3A_285 = arith.constant 0 : i32
        %dma_start3A_286 = tpu.memref_slice %arg2[%dma_start3A_284, %dma_start3A_285] : memref<8192x1024xf32, #tpu.memory_space<hbm>> -> memref<8192x1024xf32, #tpu.memory_space<hbm>>
        %dma_start3A_287 = tpu.memref_slice %arg7[%dma_start3A_276] : memref<4x!tpu.dma_semaphore, #tpu.memory_space<semaphore_mem>> -> memref<1x!tpu.dma_semaphore, #tpu.memory_space<semaphore_mem>>
        %dma_start3A_288 = tpu.memref_squeeze %dma_start3A_287 : memref<1x!tpu.dma_semaphore, #tpu.memory_space<semaphore_mem>> -> memref<!tpu.dma_semaphore, #tpu.memory_space<semaphore_mem>>
        tpu.enqueue_indirect_dma source(%dma_start3A_286 : memref<8192x1024xf32, #tpu.memory_space<hbm>>) target(%dma_start3A_280 : memref<16x1024xf32, #tpu.memory_space<vmem>>) offsets(%dma_start3A_283 : memref<16xi32, #tpu.memory_space<vmem>>) semaphore(%dma_start3A_288 : memref<!tpu.dma_semaphore, #tpu.memory_space<semaphore_mem>>)
      } else {
      }
      %dma_wait3A_133 = arith.constant 0 : i32
      %dma_wait3A_134 = arith.constant 1 : i32
      %dma_wait3A_135 = arith.constant 1 : i32
      %dma_wait3A_136 = arith.constant 0 : i32
      %dma_wait3A_137 = arith.constant 0 : i32
      %dma_wait3A_138 = tpu.memref_slice %arg6[%dma_wait3A_134, %dma_wait3A_136, %dma_wait3A_137] : memref<4x16x1024xf32, #tpu.memory_space<vmem>> -> memref<1x16x1024xf32, #tpu.memory_space<vmem>>
      %dma_wait3A_139 = tpu.memref_squeeze %dma_wait3A_138 : memref<1x16x1024xf32, #tpu.memory_space<vmem>> -> memref<16x1024xf32, #tpu.memory_space<vmem>>
      %dma_wait3A_140 = arith.constant 0 : i32
      %dma_wait3A_141 = tpu.memref_slice %arg5[%dma_wait3A_133, %dma_wait3A_140] : memref<64x16xi32, #tpu.memory_space<vmem>> -> memref<1x16xi32, #tpu.memory_space<vmem>>
      %dma_wait3A_142 = tpu.memref_squeeze %dma_wait3A_141 : memref<1x16xi32, #tpu.memory_space<vmem>> -> memref<16xi32, #tpu.memory_space<vmem>>
      %dma_wait3A_143 = arith.constant 0 : i32
      %dma_wait3A_144 = arith.constant 0 : i32
      %dma_wait3A_145 = tpu.memref_slice %arg2[%dma_wait3A_143, %dma_wait3A_144] : memref<8192x1024xf32, #tpu.memory_space<hbm>> -> memref<8192x1024xf32, #tpu.memory_space<hbm>>
      %dma_wait3A_146 = tpu.memref_slice %arg7[%dma_wait3A_135] : memref<4x!tpu.dma_semaphore, #tpu.memory_space<semaphore_mem>> -> memref<1x!tpu.dma_semaphore, #tpu.memory_space<semaphore_mem>>
      %dma_wait3A_147 = tpu.memref_squeeze %dma_wait3A_146 : memref<1x!tpu.dma_semaphore, #tpu.memory_space<semaphore_mem>> -> memref<!tpu.dma_semaphore, #tpu.memory_space<semaphore_mem>>
      tpu.wait_indirect_dma semaphore(%dma_wait3A_147 : memref<!tpu.dma_semaphore, #tpu.memory_space<semaphore_mem>>) src(%dma_wait3A_145 : memref<8192x1024xf32, #tpu.memory_space<hbm>>) dst(%dma_wait3A_139 : memref<16x1024xf32, #tpu.memory_space<vmem>>)
      %mul3A_148 = arith.constant 16 : i32
      %mul3A_149 = arith.muli %add3A_118, %mul3A_148 : i32
      %add3A_150 = arith.addi %mul3A_2, %mul3A_149 : i32
      %dma_start3A_151 = arith.constant 1 : i32
      %dma_start3A_152 = arith.constant 1 : i32
      %dma_start3A_153 = arith.constant 0 : i32
      %dma_start3A_154 = arith.constant 0 : i32
      %dma_start3A_155 = tpu.memref_slice %arg6[%dma_start3A_151, %dma_start3A_153, %dma_start3A_154] : memref<4x16x1024xf32, #tpu.memory_space<vmem>> -> memref<1x16x1024xf32, #tpu.memory_space<vmem>>
      %dma_start3A_156 = tpu.memref_squeeze %dma_start3A_155 : memref<1x16x1024xf32, #tpu.memory_space<vmem>> -> memref<16x1024xf32, #tpu.memory_space<vmem>>
      %dma_start3A_157 = arith.constant 0 : i32
      %dma_start3A_158 = tpu.memref_slice %arg4[%add3A_150, %dma_start3A_157] : memref<32768x1024xf32, #tpu.memory_space<hbm>> -> memref<16x1024xf32, #tpu.memory_space<hbm>>
      %dma_start3A_159 = tpu.memref_slice %arg8[%dma_start3A_152] : memref<4x!tpu.dma_semaphore, #tpu.memory_space<semaphore_mem>> -> memref<1x!tpu.dma_semaphore, #tpu.memory_space<semaphore_mem>>
      %dma_start3A_160 = tpu.memref_squeeze %dma_start3A_159 : memref<1x!tpu.dma_semaphore, #tpu.memory_space<semaphore_mem>> -> memref<!tpu.dma_semaphore, #tpu.memory_space<semaphore_mem>>
      %dma_start3A_161 = arith.constant 0 : i32
      %dma_start3A_162 = tpu.memref_slice %arg4[%add3A_150, %dma_start3A_161] : memref<32768x1024xf32, #tpu.memory_space<hbm>> -> memref<16x1024xf32, #tpu.memory_space<hbm>>
      %dma_start3A_163 = arith.constant 0 : i32
      %dma_start3A_164 = arith.constant 0 : i32
      %dma_start3A_165 = tpu.memref_slice %arg6[%dma_start3A_151, %dma_start3A_163, %dma_start3A_164] : memref<4x16x1024xf32, #tpu.memory_space<vmem>> -> memref<1x16x1024xf32, #tpu.memory_space<vmem>>
      %dma_start3A_166 = tpu.memref_squeeze %dma_start3A_165 : memref<1x16x1024xf32, #tpu.memory_space<vmem>> -> memref<16x1024xf32, #tpu.memory_space<vmem>>
      tpu.enqueue_dma source(%dma_start3A_166 : memref<16x1024xf32, #tpu.memory_space<vmem>>) target(%dma_start3A_162 : memref<16x1024xf32, #tpu.memory_space<hbm>>) target_semaphore(%dma_start3A_160 : memref<!tpu.dma_semaphore, #tpu.memory_space<semaphore_mem>>)
      %mul3A_167 = arith.constant 4 : i32
      %mul3A_168 = arith.muli %mul3A_167, %scan3A_67 : i32
      %add3A_169 = arith.constant 2 : i32
      %add3A_170 = arith.addi %mul3A_168, %add3A_169 : i32
      %gt3A_171 = arith.constant 0 : i32
      %gt3A_172 = arith.cmpi sgt, %add3A_170, %gt3A_171 : i32
      %convert_element_type3A_173 = arith.extui %gt3A_172 : i1 to i32
      %cond3A_174 = arith.constant 0 : i32
      %cond3A_175 = arith.cmpi ne, %convert_element_type3A_173, %cond3A_174 : i32
      scf.if %cond3A_175 {
        %dma_wait3A_271 = arith.constant 1 : i32
        %dma_wait3A_272 = arith.constant 1 : i32
        %dma_wait3A_273 = arith.constant 0 : i32
        %dma_wait3A_274 = arith.constant 0 : i32
        %dma_wait3A_275 = tpu.memref_slice %arg6[%dma_wait3A_271, %dma_wait3A_273, %dma_wait3A_274] : memref<4x16x1024xf32, #tpu.memory_space<vmem>> -> memref<1x16x1024xf32, #tpu.memory_space<vmem>>
        %dma_wait3A_276 = tpu.memref_squeeze %dma_wait3A_275 : memref<1x16x1024xf32, #tpu.memory_space<vmem>> -> memref<16x1024xf32, #tpu.memory_space<vmem>>
        %dma_wait3A_277 = arith.constant 0 : i32
        %dma_wait3A_278 = tpu.memref_slice %arg4[%mul3A_2, %dma_wait3A_277] : memref<32768x1024xf32, #tpu.memory_space<hbm>> -> memref<16x1024xf32, #tpu.memory_space<hbm>>
        %dma_wait3A_279 = tpu.memref_slice %arg8[%dma_wait3A_272] : memref<4x!tpu.dma_semaphore, #tpu.memory_space<semaphore_mem>> -> memref<1x!tpu.dma_semaphore, #tpu.memory_space<semaphore_mem>>
        %dma_wait3A_280 = tpu.memref_squeeze %dma_wait3A_279 : memref<1x!tpu.dma_semaphore, #tpu.memory_space<semaphore_mem>> -> memref<!tpu.dma_semaphore, #tpu.memory_space<semaphore_mem>>
        %dma_wait3A_281 = arith.constant 0 : i32
        %dma_wait3A_282 = tpu.memref_slice %arg4[%mul3A_2, %dma_wait3A_281] : memref<32768x1024xf32, #tpu.memory_space<hbm>> -> memref<16x1024xf32, #tpu.memory_space<hbm>>
        %dma_wait3A_283 = arith.constant 0 : i32
        %dma_wait3A_284 = arith.constant 0 : i32
        %dma_wait3A_285 = tpu.memref_slice %arg6[%dma_wait3A_271, %dma_wait3A_283, %dma_wait3A_284] : memref<4x16x1024xf32, #tpu.memory_space<vmem>> -> memref<1x16x1024xf32, #tpu.memory_space<vmem>>
        %dma_wait3A_286 = tpu.memref_squeeze %dma_wait3A_285 : memref<1x16x1024xf32, #tpu.memory_space<vmem>> -> memref<16x1024xf32, #tpu.memory_space<vmem>>
        tpu.wait_dma2 semaphore(%dma_wait3A_280 : memref<!tpu.dma_semaphore, #tpu.memory_space<semaphore_mem>>) src(%dma_wait3A_286 : memref<16x1024xf32, #tpu.memory_space<vmem>>) dst(%dma_wait3A_282 : memref<16x1024xf32, #tpu.memory_space<hbm>>)
      } else {
      }
      %add3A_176 = arith.constant 4 : i32
      %add3A_177 = arith.addi %add3A_170, %add3A_176 : i32
      %sub3A_178 = arith.constant 1 : i32
      %sub3A_179 = arith.subi %add3A_177, %sub3A_178 : i32
      %lt3A_180 = arith.constant 64 : i32
      %lt3A_181 = arith.cmpi slt, %sub3A_179, %lt3A_180 : i32
      %convert_element_type3A_182 = arith.extui %lt3A_181 : i1 to i32
      %cond3A_183 = arith.constant 0 : i32
      %cond3A_184 = arith.cmpi ne, %convert_element_type3A_182, %cond3A_183 : i32
      scf.if %cond3A_184 {
        %add3A_271 = arith.constant 4 : i32
        %add3A_272 = arith.addi %add3A_170, %add3A_271 : i32
        %sub3A_273 = arith.constant 1 : i32
        %sub3A_274 = arith.subi %add3A_272, %sub3A_273 : i32
        %dma_start3A_275 = arith.constant 1 : i32
        %dma_start3A_276 = arith.constant 1 : i32
        %dma_start3A_277 = arith.constant 0 : i32
        %dma_start3A_278 = arith.constant 0 : i32
        %dma_start3A_279 = tpu.memref_slice %arg6[%dma_start3A_275, %dma_start3A_277, %dma_start3A_278] : memref<4x16x1024xf32, #tpu.memory_space<vmem>> -> memref<1x16x1024xf32, #tpu.memory_space<vmem>>
        %dma_start3A_280 = tpu.memref_squeeze %dma_start3A_279 : memref<1x16x1024xf32, #tpu.memory_space<vmem>> -> memref<16x1024xf32, #tpu.memory_space<vmem>>
        %dma_start3A_281 = arith.constant 0 : i32
        %dma_start3A_282 = tpu.memref_slice %arg5[%sub3A_274, %dma_start3A_281] : memref<64x16xi32, #tpu.memory_space<vmem>> -> memref<1x16xi32, #tpu.memory_space<vmem>>
        %dma_start3A_283 = tpu.memref_squeeze %dma_start3A_282 : memref<1x16xi32, #tpu.memory_space<vmem>> -> memref<16xi32, #tpu.memory_space<vmem>>
        %dma_start3A_284 = arith.constant 0 : i32
        %dma_start3A_285 = arith.constant 0 : i32
        %dma_start3A_286 = tpu.memref_slice %arg2[%dma_start3A_284, %dma_start3A_285] : memref<8192x1024xf32, #tpu.memory_space<hbm>> -> memref<8192x1024xf32, #tpu.memory_space<hbm>>
        %dma_start3A_287 = tpu.memref_slice %arg7[%dma_start3A_276] : memref<4x!tpu.dma_semaphore, #tpu.memory_space<semaphore_mem>> -> memref<1x!tpu.dma_semaphore, #tpu.memory_space<semaphore_mem>>
        %dma_start3A_288 = tpu.memref_squeeze %dma_start3A_287 : memref<1x!tpu.dma_semaphore, #tpu.memory_space<semaphore_mem>> -> memref<!tpu.dma_semaphore, #tpu.memory_space<semaphore_mem>>
        tpu.enqueue_indirect_dma source(%dma_start3A_286 : memref<8192x1024xf32, #tpu.memory_space<hbm>>) target(%dma_start3A_280 : memref<16x1024xf32, #tpu.memory_space<vmem>>) offsets(%dma_start3A_283 : memref<16xi32, #tpu.memory_space<vmem>>) semaphore(%dma_start3A_288 : memref<!tpu.dma_semaphore, #tpu.memory_space<semaphore_mem>>)
      } else {
      }
      %dma_wait3A_185 = arith.constant 0 : i32
      %dma_wait3A_186 = arith.constant 2 : i32
      %dma_wait3A_187 = arith.constant 2 : i32
      %dma_wait3A_188 = arith.constant 0 : i32
      %dma_wait3A_189 = arith.constant 0 : i32
      %dma_wait3A_190 = tpu.memref_slice %arg6[%dma_wait3A_186, %dma_wait3A_188, %dma_wait3A_189] : memref<4x16x1024xf32, #tpu.memory_space<vmem>> -> memref<1x16x1024xf32, #tpu.memory_space<vmem>>
      %dma_wait3A_191 = tpu.memref_squeeze %dma_wait3A_190 : memref<1x16x1024xf32, #tpu.memory_space<vmem>> -> memref<16x1024xf32, #tpu.memory_space<vmem>>
      %dma_wait3A_192 = arith.constant 0 : i32
      %dma_wait3A_193 = tpu.memref_slice %arg5[%dma_wait3A_185, %dma_wait3A_192] : memref<64x16xi32, #tpu.memory_space<vmem>> -> memref<1x16xi32, #tpu.memory_space<vmem>>
      %dma_wait3A_194 = tpu.memref_squeeze %dma_wait3A_193 : memref<1x16xi32, #tpu.memory_space<vmem>> -> memref<16xi32, #tpu.memory_space<vmem>>
      %dma_wait3A_195 = arith.constant 0 : i32
      %dma_wait3A_196 = arith.constant 0 : i32
      %dma_wait3A_197 = tpu.memref_slice %arg2[%dma_wait3A_195, %dma_wait3A_196] : memref<8192x1024xf32, #tpu.memory_space<hbm>> -> memref<8192x1024xf32, #tpu.memory_space<hbm>>
      %dma_wait3A_198 = tpu.memref_slice %arg7[%dma_wait3A_187] : memref<4x!tpu.dma_semaphore, #tpu.memory_space<semaphore_mem>> -> memref<1x!tpu.dma_semaphore, #tpu.memory_space<semaphore_mem>>
      %dma_wait3A_199 = tpu.memref_squeeze %dma_wait3A_198 : memref<1x!tpu.dma_semaphore, #tpu.memory_space<semaphore_mem>> -> memref<!tpu.dma_semaphore, #tpu.memory_space<semaphore_mem>>
      tpu.wait_indirect_dma semaphore(%dma_wait3A_199 : memref<!tpu.dma_semaphore, #tpu.memory_space<semaphore_mem>>) src(%dma_wait3A_197 : memref<8192x1024xf32, #tpu.memory_space<hbm>>) dst(%dma_wait3A_191 : memref<16x1024xf32, #tpu.memory_space<vmem>>)
      %mul3A_200 = arith.constant 16 : i32
      %mul3A_201 = arith.muli %add3A_170, %mul3A_200 : i32
      %add3A_202 = arith.addi %mul3A_2, %mul3A_201 : i32
      %dma_start3A_203 = arith.constant 2 : i32
      %dma_start3A_204 = arith.constant 2 : i32
      %dma_start3A_205 = arith.constant 0 : i32
      %dma_start3A_206 = arith.constant 0 : i32
      %dma_start3A_207 = tpu.memref_slice %arg6[%dma_start3A_203, %dma_start3A_205, %dma_start3A_206] : memref<4x16x1024xf32, #tpu.memory_space<vmem>> -> memref<1x16x1024xf32, #tpu.memory_space<vmem>>
      %dma_start3A_208 = tpu.memref_squeeze %dma_start3A_207 : memref<1x16x1024xf32, #tpu.memory_space<vmem>> -> memref<16x1024xf32, #tpu.memory_space<vmem>>
      %dma_start3A_209 = arith.constant 0 : i32
      %dma_start3A_210 = tpu.memref_slice %arg4[%add3A_202, %dma_start3A_209] : memref<32768x1024xf32, #tpu.memory_space<hbm>> -> memref<16x1024xf32, #tpu.memory_space<hbm>>
      %dma_start3A_211 = tpu.memref_slice %arg8[%dma_start3A_204] : memref<4x!tpu.dma_semaphore, #tpu.memory_space<semaphore_mem>> -> memref<1x!tpu.dma_semaphore, #tpu.memory_space<semaphore_mem>>
      %dma_start3A_212 = tpu.memref_squeeze %dma_start3A_211 : memref<1x!tpu.dma_semaphore, #tpu.memory_space<semaphore_mem>> -> memref<!tpu.dma_semaphore, #tpu.memory_space<semaphore_mem>>
      %dma_start3A_213 = arith.constant 0 : i32
      %dma_start3A_214 = tpu.memref_slice %arg4[%add3A_202, %dma_start3A_213] : memref<32768x1024xf32, #tpu.memory_space<hbm>> -> memref<16x1024xf32, #tpu.memory_space<hbm>>
      %dma_start3A_215 = arith.constant 0 : i32
      %dma_start3A_216 = arith.constant 0 : i32
      %dma_start3A_217 = tpu.memref_slice %arg6[%dma_start3A_203, %dma_start3A_215, %dma_start3A_216] : memref<4x16x1024xf32, #tpu.memory_space<vmem>> -> memref<1x16x1024xf32, #tpu.memory_space<vmem>>
      %dma_start3A_218 = tpu.memref_squeeze %dma_start3A_217 : memref<1x16x1024xf32, #tpu.memory_space<vmem>> -> memref<16x1024xf32, #tpu.memory_space<vmem>>
      tpu.enqueue_dma source(%dma_start3A_218 : memref<16x1024xf32, #tpu.memory_space<vmem>>) target(%dma_start3A_214 : memref<16x1024xf32, #tpu.memory_space<hbm>>) target_semaphore(%dma_start3A_212 : memref<!tpu.dma_semaphore, #tpu.memory_space<semaphore_mem>>)
      %mul3A_219 = arith.constant 4 : i32
      %mul3A_220 = arith.muli %mul3A_219, %scan3A_67 : i32
      %add3A_221 = arith.constant 3 : i32
      %add3A_222 = arith.addi %mul3A_220, %add3A_221 : i32
      %gt3A_223 = arith.constant 0 : i32
      %gt3A_224 = arith.cmpi sgt, %add3A_222, %gt3A_223 : i32
      %convert_element_type3A_225 = arith.extui %gt3A_224 : i1 to i32
      %cond3A_226 = arith.constant 0 : i32
      %cond3A_227 = arith.cmpi ne, %convert_element_type3A_225, %cond3A_226 : i32
      scf.if %cond3A_227 {
        %dma_wait3A_271 = arith.constant 2 : i32
        %dma_wait3A_272 = arith.constant 2 : i32
        %dma_wait3A_273 = arith.constant 0 : i32
        %dma_wait3A_274 = arith.constant 0 : i32
        %dma_wait3A_275 = tpu.memref_slice %arg6[%dma_wait3A_271, %dma_wait3A_273, %dma_wait3A_274] : memref<4x16x1024xf32, #tpu.memory_space<vmem>> -> memref<1x16x1024xf32, #tpu.memory_space<vmem>>
        %dma_wait3A_276 = tpu.memref_squeeze %dma_wait3A_275 : memref<1x16x1024xf32, #tpu.memory_space<vmem>> -> memref<16x1024xf32, #tpu.memory_space<vmem>>
        %dma_wait3A_277 = arith.constant 0 : i32
        %dma_wait3A_278 = tpu.memref_slice %arg4[%mul3A_2, %dma_wait3A_277] : memref<32768x1024xf32, #tpu.memory_space<hbm>> -> memref<16x1024xf32, #tpu.memory_space<hbm>>
        %dma_wait3A_279 = tpu.memref_slice %arg8[%dma_wait3A_272] : memref<4x!tpu.dma_semaphore, #tpu.memory_space<semaphore_mem>> -> memref<1x!tpu.dma_semaphore, #tpu.memory_space<semaphore_mem>>
        %dma_wait3A_280 = tpu.memref_squeeze %dma_wait3A_279 : memref<1x!tpu.dma_semaphore, #tpu.memory_space<semaphore_mem>> -> memref<!tpu.dma_semaphore, #tpu.memory_space<semaphore_mem>>
        %dma_wait3A_281 = arith.constant 0 : i32
        %dma_wait3A_282 = tpu.memref_slice %arg4[%mul3A_2, %dma_wait3A_281] : memref<32768x1024xf32, #tpu.memory_space<hbm>> -> memref<16x1024xf32, #tpu.memory_space<hbm>>
        %dma_wait3A_283 = arith.constant 0 : i32
        %dma_wait3A_284 = arith.constant 0 : i32
        %dma_wait3A_285 = tpu.memref_slice %arg6[%dma_wait3A_271, %dma_wait3A_283, %dma_wait3A_284] : memref<4x16x1024xf32, #tpu.memory_space<vmem>> -> memref<1x16x1024xf32, #tpu.memory_space<vmem>>
        %dma_wait3A_286 = tpu.memref_squeeze %dma_wait3A_285 : memref<1x16x1024xf32, #tpu.memory_space<vmem>> -> memref<16x1024xf32, #tpu.memory_space<vmem>>
        tpu.wait_dma2 semaphore(%dma_wait3A_280 : memref<!tpu.dma_semaphore, #tpu.memory_space<semaphore_mem>>) src(%dma_wait3A_286 : memref<16x1024xf32, #tpu.memory_space<vmem>>) dst(%dma_wait3A_282 : memref<16x1024xf32, #tpu.memory_space<hbm>>)
      } else {
      }
      %add3A_228 = arith.constant 4 : i32
      %add3A_229 = arith.addi %add3A_222, %add3A_228 : i32
      %sub3A_230 = arith.constant 1 : i32
      %sub3A_231 = arith.subi %add3A_229, %sub3A_230 : i32
      %lt3A_232 = arith.constant 64 : i32
      %lt3A_233 = arith.cmpi slt, %sub3A_231, %lt3A_232 : i32
      %convert_element_type3A_234 = arith.extui %lt3A_233 : i1 to i32
      %cond3A_235 = arith.constant 0 : i32
      %cond3A_236 = arith.cmpi ne, %convert_element_type3A_234, %cond3A_235 : i32
      scf.if %cond3A_236 {
        %add3A_271 = arith.constant 4 : i32
        %add3A_272 = arith.addi %add3A_222, %add3A_271 : i32
        %sub3A_273 = arith.constant 1 : i32
        %sub3A_274 = arith.subi %add3A_272, %sub3A_273 : i32
        %dma_start3A_275 = arith.constant 2 : i32
        %dma_start3A_276 = arith.constant 2 : i32
        %dma_start3A_277 = arith.constant 0 : i32
        %dma_start3A_278 = arith.constant 0 : i32
        %dma_start3A_279 = tpu.memref_slice %arg6[%dma_start3A_275, %dma_start3A_277, %dma_start3A_278] : memref<4x16x1024xf32, #tpu.memory_space<vmem>> -> memref<1x16x1024xf32, #tpu.memory_space<vmem>>
        %dma_start3A_280 = tpu.memref_squeeze %dma_start3A_279 : memref<1x16x1024xf32, #tpu.memory_space<vmem>> -> memref<16x1024xf32, #tpu.memory_space<vmem>>
        %dma_start3A_281 = arith.constant 0 : i32
        %dma_start3A_282 = tpu.memref_slice %arg5[%sub3A_274, %dma_start3A_281] : memref<64x16xi32, #tpu.memory_space<vmem>> -> memref<1x16xi32, #tpu.memory_space<vmem>>
        %dma_start3A_283 = tpu.memref_squeeze %dma_start3A_282 : memref<1x16xi32, #tpu.memory_space<vmem>> -> memref<16xi32, #tpu.memory_space<vmem>>
        %dma_start3A_284 = arith.constant 0 : i32
        %dma_start3A_285 = arith.constant 0 : i32
        %dma_start3A_286 = tpu.memref_slice %arg2[%dma_start3A_284, %dma_start3A_285] : memref<8192x1024xf32, #tpu.memory_space<hbm>> -> memref<8192x1024xf32, #tpu.memory_space<hbm>>
        %dma_start3A_287 = tpu.memref_slice %arg7[%dma_start3A_276] : memref<4x!tpu.dma_semaphore, #tpu.memory_space<semaphore_mem>> -> memref<1x!tpu.dma_semaphore, #tpu.memory_space<semaphore_mem>>
        %dma_start3A_288 = tpu.memref_squeeze %dma_start3A_287 : memref<1x!tpu.dma_semaphore, #tpu.memory_space<semaphore_mem>> -> memref<!tpu.dma_semaphore, #tpu.memory_space<semaphore_mem>>
        tpu.enqueue_indirect_dma source(%dma_start3A_286 : memref<8192x1024xf32, #tpu.memory_space<hbm>>) target(%dma_start3A_280 : memref<16x1024xf32, #tpu.memory_space<vmem>>) offsets(%dma_start3A_283 : memref<16xi32, #tpu.memory_space<vmem>>) semaphore(%dma_start3A_288 : memref<!tpu.dma_semaphore, #tpu.memory_space<semaphore_mem>>)
      } else {
      }
      %dma_wait3A_237 = arith.constant 0 : i32
      %dma_wait3A_238 = arith.constant 3 : i32
      %dma_wait3A_239 = arith.constant 3 : i32
      %dma_wait3A_240 = arith.constant 0 : i32
      %dma_wait3A_241 = arith.constant 0 : i32
      %dma_wait3A_242 = tpu.memref_slice %arg6[%dma_wait3A_238, %dma_wait3A_240, %dma_wait3A_241] : memref<4x16x1024xf32, #tpu.memory_space<vmem>> -> memref<1x16x1024xf32, #tpu.memory_space<vmem>>
      %dma_wait3A_243 = tpu.memref_squeeze %dma_wait3A_242 : memref<1x16x1024xf32, #tpu.memory_space<vmem>> -> memref<16x1024xf32, #tpu.memory_space<vmem>>
      %dma_wait3A_244 = arith.constant 0 : i32
      %dma_wait3A_245 = tpu.memref_slice %arg5[%dma_wait3A_237, %dma_wait3A_244] : memref<64x16xi32, #tpu.memory_space<vmem>> -> memref<1x16xi32, #tpu.memory_space<vmem>>
      %dma_wait3A_246 = tpu.memref_squeeze %dma_wait3A_245 : memref<1x16xi32, #tpu.memory_space<vmem>> -> memref<16xi32, #tpu.memory_space<vmem>>
      %dma_wait3A_247 = arith.constant 0 : i32
      %dma_wait3A_248 = arith.constant 0 : i32
      %dma_wait3A_249 = tpu.memref_slice %arg2[%dma_wait3A_247, %dma_wait3A_248] : memref<8192x1024xf32, #tpu.memory_space<hbm>> -> memref<8192x1024xf32, #tpu.memory_space<hbm>>
      %dma_wait3A_250 = tpu.memref_slice %arg7[%dma_wait3A_239] : memref<4x!tpu.dma_semaphore, #tpu.memory_space<semaphore_mem>> -> memref<1x!tpu.dma_semaphore, #tpu.memory_space<semaphore_mem>>
      %dma_wait3A_251 = tpu.memref_squeeze %dma_wait3A_250 : memref<1x!tpu.dma_semaphore, #tpu.memory_space<semaphore_mem>> -> memref<!tpu.dma_semaphore, #tpu.memory_space<semaphore_mem>>
      tpu.wait_indirect_dma semaphore(%dma_wait3A_251 : memref<!tpu.dma_semaphore, #tpu.memory_space<semaphore_mem>>) src(%dma_wait3A_249 : memref<8192x1024xf32, #tpu.memory_space<hbm>>) dst(%dma_wait3A_243 : memref<16x1024xf32, #tpu.memory_space<vmem>>)
      %mul3A_252 = arith.constant 16 : i32
      %mul3A_253 = arith.muli %add3A_222, %mul3A_252 : i32
      %add3A_254 = arith.addi %mul3A_2, %mul3A_253 : i32
      %dma_start3A_255 = arith.constant 3 : i32
      %dma_start3A_256 = arith.constant 3 : i32
      %dma_start3A_257 = arith.constant 0 : i32
      %dma_start3A_258 = arith.constant 0 : i32
      %dma_start3A_259 = tpu.memref_slice %arg6[%dma_start3A_255, %dma_start3A_257, %dma_start3A_258] : memref<4x16x1024xf32, #tpu.memory_space<vmem>> -> memref<1x16x1024xf32, #tpu.memory_space<vmem>>
      %dma_start3A_260 = tpu.memref_squeeze %dma_start3A_259 : memref<1x16x1024xf32, #tpu.memory_space<vmem>> -> memref<16x1024xf32, #tpu.memory_space<vmem>>
      %dma_start3A_261 = arith.constant 0 : i32
      %dma_start3A_262 = tpu.memref_slice %arg4[%add3A_254, %dma_start3A_261] : memref<32768x1024xf32, #tpu.memory_space<hbm>> -> memref<16x1024xf32, #tpu.memory_space<hbm>>
      %dma_start3A_263 = tpu.memref_slice %arg8[%dma_start3A_256] : memref<4x!tpu.dma_semaphore, #tpu.memory_space<semaphore_mem>> -> memref<1x!tpu.dma_semaphore, #tpu.memory_space<semaphore_mem>>
      %dma_start3A_264 = tpu.memref_squeeze %dma_start3A_263 : memref<1x!tpu.dma_semaphore, #tpu.memory_space<semaphore_mem>> -> memref<!tpu.dma_semaphore, #tpu.memory_space<semaphore_mem>>
      %dma_start3A_265 = arith.constant 0 : i32
      %dma_start3A_266 = tpu.memref_slice %arg4[%add3A_254, %dma_start3A_265] : memref<32768x1024xf32, #tpu.memory_space<hbm>> -> memref<16x1024xf32, #tpu.memory_space<hbm>>
      %dma_start3A_267 = arith.constant 0 : i32
      %dma_start3A_268 = arith.constant 0 : i32
      %dma_start3A_269 = tpu.memref_slice %arg6[%dma_start3A_255, %dma_start3A_267, %dma_start3A_268] : memref<4x16x1024xf32, #tpu.memory_space<vmem>> -> memref<1x16x1024xf32, #tpu.memory_space<vmem>>
      %dma_start3A_270 = tpu.memref_squeeze %dma_start3A_269 : memref<1x16x1024xf32, #tpu.memory_space<vmem>> -> memref<16x1024xf32, #tpu.memory_space<vmem>>
      tpu.enqueue_dma source(%dma_start3A_270 : memref<16x1024xf32, #tpu.memory_space<vmem>>) target(%dma_start3A_266 : memref<16x1024xf32, #tpu.memory_space<hbm>>) target_semaphore(%dma_start3A_264 : memref<!tpu.dma_semaphore, #tpu.memory_space<semaphore_mem>>)
    }
    %scan3A_51 = arith.constant 16 : i32
    %dma_wait3A = arith.constant 3 : i32
    %dma_wait3A_52 = arith.constant 3 : i32
    %dma_wait3A_53 = arith.constant 0 : i32
    %dma_wait3A_54 = arith.constant 0 : i32
    %dma_wait3A_55 = tpu.memref_slice %arg6[%dma_wait3A, %dma_wait3A_53, %dma_wait3A_54] : memref<4x16x1024xf32, #tpu.memory_space<vmem>> -> memref<1x16x1024xf32, #tpu.memory_space<vmem>>
    %dma_wait3A_56 = tpu.memref_squeeze %dma_wait3A_55 : memref<1x16x1024xf32, #tpu.memory_space<vmem>> -> memref<16x1024xf32, #tpu.memory_space<vmem>>
    %dma_wait3A_57 = arith.constant 0 : i32
    %dma_wait3A_58 = tpu.memref_slice %arg4[%mul3A_2, %dma_wait3A_57] : memref<32768x1024xf32, #tpu.memory_space<hbm>> -> memref<16x1024xf32, #tpu.memory_space<hbm>>
    %dma_wait3A_59 = tpu.memref_slice %arg8[%dma_wait3A_52] : memref<4x!tpu.dma_semaphore, #tpu.memory_space<semaphore_mem>> -> memref<1x!tpu.dma_semaphore, #tpu.memory_space<semaphore_mem>>
    %dma_wait3A_60 = tpu.memref_squeeze %dma_wait3A_59 : memref<1x!tpu.dma_semaphore, #tpu.memory_space<semaphore_mem>> -> memref<!tpu.dma_semaphore, #tpu.memory_space<semaphore_mem>>
    %dma_wait3A_61 = arith.constant 0 : i32
    %dma_wait3A_62 = tpu.memref_slice %arg4[%mul3A_2, %dma_wait3A_61] : memref<32768x1024xf32, #tpu.memory_space<hbm>> -> memref<16x1024xf32, #tpu.memory_space<hbm>>
    %dma_wait3A_63 = arith.constant 0 : i32
    %dma_wait3A_64 = arith.constant 0 : i32
    %dma_wait3A_65 = tpu.memref_slice %arg6[%dma_wait3A, %dma_wait3A_63, %dma_wait3A_64] : memref<4x16x1024xf32, #tpu.memory_space<vmem>> -> memref<1x16x1024xf32, #tpu.memory_space<vmem>>
    %dma_wait3A_66 = tpu.memref_squeeze %dma_wait3A_65 : memref<1x16x1024xf32, #tpu.memory_space<vmem>> -> memref<16x1024xf32, #tpu.memory_space<vmem>>
    tpu.wait_dma2 semaphore(%dma_wait3A_60 : memref<!tpu.dma_semaphore, #tpu.memory_space<semaphore_mem>>) src(%dma_wait3A_66 : memref<16x1024xf32, #tpu.memory_space<vmem>>) dst(%dma_wait3A_62 : memref<16x1024xf32, #tpu.memory_space<hbm>>)
    return
  }
}

</mosaic_0001>

<sc_bundles>
// kernel: kernel.3.cloned.1.call-start
scs
__scs_entry_jumppad:
0x0: {  	(pc) =	sbr.rel $0x88, $3  }
0x1: {  	(tag) =	ssettag $0x0;
	lr =	simm.s32 $0x1  }
0x2: {  	[smem:$0x3F9F] =	sst lr;
	_ =	strace $0xD0000000  }
0x3: {  	_ = 	snop  }
0x4: {  	_ = 	snop  }
0x5: {  	_ = 	snop  }
0x6: {  	_ = 	snop  }
0x7: {  	_ = 	snop  }
__scs_overlays_trampoline_lowered:
0x8: {  	[smem:$0x3FAE] =	sst s0  }
0x9: {  	[smem:$0x3FAF] =	sst s1  }
0xa: {  	[smem:$0x3FB0] =	sst s2  }
0xb: {  	[smem:$0x3FB1] =	sst s3  }
0xc: {  	[smem:$0x3FB2] =	sst s4  }
0xd: {  	[smem:$0x3FB3] =	sst s5  }
0xe: {  	[smem:$0x3FB4] =	sst s6  }
0xf: {  	[smem:$0x3FB5] =	sst s7  }
0x10: {  	[smem:$0x3FB6] =	sst s8  }
0x11: {  	[smem:$0x3FB7] =	sst s9;
	s0 =	simm.s32 @!p0 $0x0  }
0x12: {  	s1 =	sld [smem:$0x3F9D];
	s0 =	simm.s32 @p0 $0x1  }
0x13: {  	[smem:$0x3FB8] =	sst s0;
	s0 =	simm.s32 @!p1 $0x0  }
0x14: {  	s2 =	sld [smem:$0x3F9C];
	s0 =	simm.s32 @p1 $0x1  }
0x15: {  	[smem:$0x3FB9] =	sst s0;
	s0 =	simm.s32 @!p2 $0x0  }
0x16: {  	s3 =	sld [smem:$0x3FDB];
	s0 =	simm.s32 @p2 $0x1  }
0x17: {  	s4 =	simm.s32 $0x1BF5;
	[smem:$0x3FBB] =	sst s0  }
0x18: {  	s0 =	sld [smem:$0x3F9E];
	_ =	swait.ge [sflag:s4], $0x0  }
0x19: {  	s7 =	sld [smem:$0x3F9F]  }
0x1a: {  	s8 =	sadd.s32 $0xFFFFE003, lr  }
0x1b: {  	s9 =	sadd.s32 $0xFFFFFEF7, lr;
	s5 =	simm.s32 $0xFFFFFFFF;
	p2 =	slt.u32 s8, $0xFFFFF086  }
0x1c: {  	p1 =	slt.u32 s9, $0xF7A;
	s5 =	simm.s32 @!p2 $0x0  }
0x1d: {  	s5 =	simm.s32 @p1 $0x1;
	p0 =	seq.s32 s7, s2  }
0x1e: {  	s7 =	smul.u32 @!p0 $0xF7A, s2;
	p2 =	seq.s32 @!p0 s5, $0x0  }
0x1f: {  	s9 =	smul.u32 $0xF7A, s1;
	s8 =	simm.s32 @!p0 $0x1BF5;
	p2 =	por !p2, p0  }
0x20: {  	[sflag:s8] =	ssyncset.s32 @!p0 $0xFFFFF086;
	s6 =	sadd.s32 @!p0 s3, s7;
	s7 =	simm.s32 @!p0 $0x108  }
0x21: {  	s3 =	sadd.s32 s3, s9;
	s6 =	sadd.s32 @!p0 $0x88, s6;
	s7 =	simm.s32 @p2 $0x1082  }
0x22: {  	[simem:s7], [sflag:s8] =	dma.local @!p0 [hbm:s6], $0xF7A  }
0x23: {  	s9 =	sor.u32 $0xD0000000, s2;
	s6 =	simm.s32 $0x108;
	_ =	swait.ge @!p0 [sflag:s8], $0x0  }
0x24: {  	s3 =	sadd.s32 $0x88, s3;
	s6 =	simm.s32 @!p1 $0x1082;
	[sflag:s4] =	ssyncset.s32 $0xFFFFF086  }
0x25: {  	[simem:s6], [sflag:s4] =	dma.local [hbm:s3], $0xF7A  }
0x26: {  	[smem:$0x3F9F] =	sst s1;
	(tag) =	ssettag s2;
	_ =	strace s9  }
0x27: {  	s1 =	sld [smem:$0x3FAF]  }
0x28: {  	s2 =	sld [smem:$0x3FB0]  }
0x29: {  	s4 =	sld [smem:$0x3FB2]  }
0x2a: {  	p0 =	seq.s32 s5, $0x0;
	s5 =	sld [smem:$0x3FB3]  }
0x2b: {  	s6 =	sld [smem:$0x3FB4]  }
0x2c: {  	s7 =	sld [smem:$0x3FB5]  }
0x2d: {  	s3 =	simm.s32 $0x108;
	s8 =	sld [smem:$0x3FB6]  }
0x2e: {  	s3 =	simm.s32 @!p0 $0x1082;
	s9 =	sld [smem:$0x3FB7]  }
0x2f: {  	lr =	sadd.s32 s0, s3;
	s0 =	sld [smem:$0x3FAE]  }
0x30: {  	s3 =	sld [smem:$0x3FB1]  }
0x31: {  	[smem:$0x3FBA] =	sst s10  }
0x32: {  	s10 =	sld [smem:$0x3FB8];
	_ =	sdelay $0x3  }
0x33: {  	p0 =	seq.s32 s10, $0x1;
	s10 =	sld [smem:$0x3FBA];
	_ =	sdelay $0x3  }
0x34: {  	[smem:$0x3FBA] =	sst s10  }
0x35: {  	s10 =	sld [smem:$0x3FB9];
	_ =	sdelay $0x3  }
0x36: {  	p1 =	seq.s32 s10, $0x1;
	s10 =	sld [smem:$0x3FBA];
	_ =	sdelay $0x3  }
0x37: {  	[smem:$0x3FBA] =	sst s10  }
0x38: {  	s10 =	sld [smem:$0x3FBB]  }
0x39: {  	_ = 	snop;
	(pc) =	sbr.ind lr, $3  }
0x3a: {  	_ = 	snop  }
0x3b: {  	_ = 	snop  }
0x3c: {  	p2 =	seq.s32 s10, $0x1;
	s10 =	sld [smem:$0x3FBA]  }
0x3d: {  	_ =	shalt  }
0x3e: {  	_ =	shalt  }
0x3f: {  	_ =	shalt  }
0x40: {  	_ =	shalt  }
0x41: {  	_ =	shalt  }
0x42: {  	_ =	shalt  }
0x43: {  	_ =	shalt  }
0x44: {  	_ =	shalt  }
0x45: {  	_ =	shalt  }
0x46: {  	_ =	shalt  }
0x47: {  	_ =	shalt  }
0x48: {  	_ =	shalt  }
0x49: {  	_ =	shalt  }
0x4a: {  	_ =	shalt  }
0x4b: {  	_ =	shalt  }
0x4c: {  	_ =	shalt  }
0x4d: {  	_ =	shalt  }
0x4e: {  	_ =	shalt  }
0x4f: {  	_ =	shalt  }
0x50: {  	_ =	shalt  }
0x51: {  	_ =	shalt  }
0x52: {  	_ =	shalt  }
0x53: {  	_ =	shalt  }
0x54: {  	_ =	shalt  }
0x55: {  	_ =	shalt  }
0x56: {  	_ =	shalt  }
0x57: {  	_ =	shalt  }
0x58: {  	_ =	shalt  }
0x59: {  	_ =	shalt  }
0x5a: {  	_ =	shalt  }
0x5b: {  	_ =	shalt  }
0x5c: {  	_ =	shalt  }
0x5d: {  	_ =	shalt  }
0x5e: {  	_ =	shalt  }
0x5f: {  	_ =	shalt  }
0x60: {  	_ =	shalt  }
0x61: {  	_ =	shalt  }
0x62: {  	_ =	shalt  }
0x63: {  	_ =	shalt  }
0x64: {  	_ =	shalt  }
0x65: {  	_ =	shalt  }
0x66: {  	_ =	shalt  }
0x67: {  	_ =	shalt  }
0x68: {  	_ =	shalt  }
0x69: {  	_ =	shalt  }
0x6a: {  	_ =	shalt  }
0x6b: {  	_ =	shalt  }
0x6c: {  	_ =	shalt  }
0x6d: {  	_ =	shalt  }
0x6e: {  	_ =	shalt  }
0x6f: {  	_ =	shalt  }
0x70: {  	_ =	shalt  }
0x71: {  	_ =	shalt  }
0x72: {  	_ =	shalt  }
0x73: {  	_ =	shalt  }
0x74: {  	_ =	shalt  }
0x75: {  	_ =	shalt  }
0x76: {  	_ =	shalt  }
0x77: {  	_ =	shalt  }
0x78: {  	_ =	shalt  }
0x79: {  	_ =	shalt  }
0x7a: {  	_ =	shalt  }
0x7b: {  	_ =	shalt  }
0x7c: {  	_ =	shalt  }
0x7d: {  	_ =	shalt  }
0x7e: {  	_ =	shalt  }
0x7f: {  	_ =	shalt  }
0x80: {  	_ =	shalt  }
0x81: {  	_ =	shalt  }
0x82: {  	_ =	shalt  }
0x83: {  	_ =	shalt  }
0x84: {  	_ =	shalt  }
0x85: {  	_ =	shalt  }
0x86: {  	_ =	shalt  }
0x87: {  	_ =	shalt  }
.Lfunc_end0:
.L_simem_size_0:
called_computation_lowered:
.L_overlay_start_0:
0x88: {  	s2 =	sld [smem:$0x3FD9]  }
0x89: {  	s3 =	sld [smem:$0x3FFE];
	_ =	sdelay $0x1  }
0x8a: {  	s1 =	srdreg.scid  }
0x8b: {  	s0 =	sand.u32 $0x1, s1  }
0x8c: {  	s17 =	sshll.u32 s0, $0xA;
	s2 =	sadd.s32 s3, s2  }
0x8d: {  	s2 =	sadd.s32 s2, s17  }
0x8e: {  	[smem:$0x3FC6] =	sst s2  }
0x8f: {  	_ = 	snop  }
0x90: {  	s2 =	sld [smem:$0x3FC9]  }
0x91: {  	s18 =	sld [smem:$0x3FD0];
	(tm) =	ssettm $0x1  }
0x92: {  	s4 =	sld [smem:$0x3FFB];
	_ =	sdelay $0x3  }
0x93: {  	_ =	strace s4  }
0x94: {  	s4 =	sld [smem:$0x3FFC];
	_ =	sdelay $0x3  }
0x95: {  	_ =	strace s4  }
0x96: {  	s4 =	sld [smem:$0x3FFD];
	_ =	sdelay $0x3  }
0x97: {  	_ =	strace s4  }
0x98: {  	_ =	strace $0x8FFFFFFF  }
0x99: {  	s19 =	sld [smem:$0x3FDB];
	_ =	sdelay $0x1  }
0x9a: {  	s5 =	simm.s32 $_scs_section_size  }
0x9b: {  	s6 =	simm.s32 $_size__tile_overlayer_lowered;
	s7 =	simm.s32 $_tile_overlayer_lowered  }
0x9c: {  	s22 =	simm.s32 $0x1BFF;
	s21 =	sshll.u32 s7, $0x1;
	s4 =	sadd.s32 s5, s19  }
0x9d: {  	s8 =	simm.s32 $0x0;
	s20 =	sshll.u32 s6, $0x1;
	s6 =	sadd.s32 s21, s4  }
0x9e: {  	[timem:s8], [sflag:s22] =	dma.local [hbm:s6], s20  }
0x9f: {  	_ =	swait.ge [sflag:s22], s20  }
0xa0: {  	s5 =	ssub.s32 $0x0, s20;
	[sflag:s22] =	ssyncset.done $0x0  }
0xa1: {  	[sflag:s22] =	ssyncadd.s32 s5;
	_ =	sdelay $0x1  }
0xa2: {  	s23 =	simm.s32 $0x1B8B  }
0xa3: {  	_ =	swait.ge [sflag:s23], $0x1  }
0xa4: {  	[sflag:s23] =	ssyncset.done $0x0  }
0xa5: {  	s25 =	simm.s32 $0x1B8E;
	s24 =	sld [smem:$0x3FFE];
	[sflag:s23] =	ssyncadd.s32 $0xFFFFFFFF  }
0xa6: {  	s26 =	simm.s32 $execute0_lowered;
	[smem:$0x3FD2] =	sst s25  }
0xa7: {  	s6 =	sshll.u32 s26, $0x1;
	_ =	strace $0x80000046;
	[dreg:$0x1] =	wrdreg $0xFFFFFFFF  }
0xa8: {  	s28 =	simm.s32 $_size_execute0_lowered;
	s4 =	sadd.s32 s4, s6;
	[dreg:$0x0] =	wrdreg $0x0  }
0xa9: {  	s6 =	sshll.u32 s28, $0x1;
	[dreg:$0x2] =	wrdreg s4  }
0xaa: {  	[dreg:$0x3] =	wrdreg s6  }
0xab: {  	[dreg:$0x4] =	wrdreg $0xC0  }
0xac: {  	_ =	task [dreg:s8], $0x5FFFF  }
0xad: {  	[dreg:$0x1] =	wrdreg $0xFFFFFFFF  }
0xae: {  	[dreg:$0x0] =	wrdreg $0x60  }
0xaf: {  	[dreg:$0x2] =	wrdreg s2  }
0xb0: {  	[dreg:$0x3] =	wrdreg s24  }
0xb1: {  	[dreg:$0x4] =	wrdreg s18  }
0xb2: {  	[dreg:$0x5] =	wrdreg $0x9  }
0xb3: {  	_ =	task.clear_ibuf [dreg:s8], $0x6FFFF;
	_ =	strace $0x90000046  }
0xb4: {  	s29 =	simm.s32 $0x9;
	_ =	strace $0x80000048  }
0xb5: {  	_ =	swait.ge [sflag:s29], $0x1  }
0xb6: {  	[sflag:s29] =	ssyncadd.s32 $0xFFFFFFFF  }
0xb7: {  	_ =	strace $0x90000048  }
0xb8: {  	_ =	sfence  }
0xb9: {  	s30 =	sld [smem:$0x0];
	_ =	sdelay $0x2  }
0xba: {  	s31 =	sshll.u32 s1, $0xD;
	s1 =	sshrl.u32 s1, $0x2  }
0xbb: {  	s3 =	sand.u32 $0x4000, s31;
	s1 =	sadd.s32 s1, s30  }
0xbc: {  	s0 =	sor.u32 s3, s0;
	s1 =	sshll.u32 s1, $0x11  }
0xbd: {  	s0 =	sor.u32 s1, s0  }
0xbe: {  	s0 =	sadd.s32 $0x8F2B, s0  }
0xbf: {  	[sflag:s0] =	ssyncadd.remote.s32 $0x1  }
0xc0: {  	_ =	sfence.sel $0xFFFF  }
0xc1: {  	[dreg:$0x0] =	wrdreg $0xFFFFFFFF;
	(pc) =	sbr.abs _section_cstart, $3  }
0xc2: {  	[dreg:$0x1] =	wrdreg $0xFFFFFFFF  }
0xc3: {  	_ =	task.clear_ibuf [dreg:s8], $0x2FFFF;
	_ =	strace $0x9FFFFFFF  }
0xc4: {  	(tm) =	ssettm $0x7FFFFFFF  }
0xc5: {  	_ =	shalt  }
tec
execute0_lowered:
.L_overlay_start_1:
0x0: {  	(tag) =	ssettag $0x1  }
0x1: {  	s1 =	rddreg [dreg:$0x0]  }
0x2: {  	s0 =	rddreg [dreg:$0x1]  }
0x3: {  	s2 =	rddreg [dreg:$0x2]  }
0x4: {  	s3 =	srdreg.scid;
	s7 =	stileid.u32  }
0x5: {  	s9 =	simm.s32 $0x9;
	s10 =	simm.s32 $0x2000;
	s22 =	simm.s32 $0xE800  }
0x6: {  	s23 =	simm.s32 $0xF000;
	s24 =	simm.s32 $0xF800;
	s25 =	simm.s32 $0x10000  }
0x7: {  	s26 =	simm.s32 $0x10800;
	s28 =	simm.s32 $0x11000;
	s29 =	simm.s32 $0x11800  }
0x8: {  	s30 =	simm.s32 $0xB800;
	s31 =	simm.s32 $0xC000;
	s11 =	simm.s32 $0xD800  }
0x9: {  	s12 =	simm.s32 $0xE000;
	s6 =	sand.u32 $0x1, s3;
	s3 =	simm.s32 $0x0  }
0xa: {  	s13 =	simm.s32 $0x1;
	s14 =	simm.s32 $0x5;
	[smem:$0x7FF] =	sst s3  }
0xb: {  	s15 =	simm.s32 $0x2;
	_ =	strace $0x80000047;
	[dreg:$0x5] =	wrdreg s22  }
0xc: {  	s16 =	simm.s32 $0x6;
	s17 =	simm.s32 $0x3;
	[dreg:$0x6] =	wrdreg s23  }
0xd: {  	s4 =	sshll.u32 s7, $0xB;
	s20 =	sshll.u32 s7, $0x12;
	[dreg:$0x7] =	wrdreg s24  }
0xe: {  	s7 =	sadd.s32 $0x300, s1;
	s5 =	sshll.u32 s6, $0xA;
	[dreg:$0x8] =	wrdreg s25  }
0xf: {  	s18 =	ssub.s32 $0x2, s6;
	s21 =	sshll.u32 s6, $0x11;
	[dreg:$0x9] =	wrdreg s26  }
0x10: {  	s6 =	sadd.s32 $0x200, s1;
	s4 =	sor.u32 s5, s4;
	[dreg:$0xa] =	wrdreg s28  }
0x11: {  	s19 =	sshrl.u32 s18, $0x1;
	s5 =	sadd.s32 $0x100, s1;
	[dreg:$0xb] =	wrdreg s29  }
0x12: {  	s26 =	simm.s32 $0xA000;
	s22 =	simm.s32 $0x0;
	s0 =	sadd.s32 s4, s0  }
0x13: {  	s8 =	ssub.s32 s18, s19;
	s18 =	simm.s32 $0x6000;
	s19 =	simm.s32 $0x7  }
0x14: {  	v2 =	vlaneseq.u32;
	s4 =	sadd.s32 $0x400, s0;
	s0 =	sadd.s32 s20, s2;
	s8 =	smax.u32 s8, $0x1  }
0x15: {  	vm0 =	vmmov $0xffff;
	v1 =	vshrl.u32 v2, $0x3;
	s2 =	simm.s32 $0xD000;
	s20 =	simm.s32 $0x4;
	s0 =	sadd.s32 s21, s0  }
0x16: {  	v0 =	vand.u32 $0x7, v2;
	v2 =	vor.u32 $0x8, v2;
	v1 =	vmul.u32 $0x8, v1;
	s21 =	simm.s32 $0x8;
	[dreg:$0x4] =	wrdreg s0;
	s0 =	simm.s32 $0xC800  }
.LBB2_1:
0x17: {  	[tilespmem:s3], [sflag:$0x9] =	stream.linear.gather [hbm4b:s4+s3], $0x2000, $0x38;
	[tilespmem:$0x12000] =	vst v63  }
0x18: {  	_ =	swait.ge [sflag:s9], $0x2000  }
0x19: {  	[sflag:s9] =	ssyncset.done $0x0  }
0x1a: {  	[sflag:s9] =	ssyncadd.s32 $0xFFFFE000  }
0x1b: {  	v3 =	vld [tilespmem:$0x0];
	_ =	sdelay $0x4  }
0x1c: {  	v4 =	vshll.u32 v3, $0x3  }
0x1d: {  	v3 =	vand.u32 $0x7, v3;
	v4 =	vand.u32 $0xFFFFFFC0, v4  }
0x1e: {  	v3 =	vor.u32 v3, v4  }
0x1f: {  	v4 =	vperm.xlane v3, v0;
	_ =	sdelay $0x1  }
0x20: {  	v4 =	vadd.s32 v1, v4;
	_ =	sdelay $0x4  }
0x21: {  	[tilespmem:s10], [sflag:$0x1] =	stream.indirect_vreg.gather [hbm4b:s1+s3], $0x80, v4, vm0, $0xb8;
	[tilespmem:$0x12000] =	vst v63  }
0x22: {  	s23 =	simm.s32 $0x2800;
	v3 =	vperm.xlane v3, v2  }
0x23: {  	[tilespmem:s23], [sflag:$0x1] =	stream.indirect_vreg.gather [hbm4b:s5+s3], $0x80, v4, vm0, $0xb8;
	[tilespmem:$0x12000] =	vst v63  }
0x24: {  	s25 =	simm.s32 $0x3000;
	v3 =	vadd.s32 v1, v3  }
0x25: {  	[tilespmem:s25], [sflag:$0x1] =	stream.indirect_vreg.gather [hbm4b:s6+s3], $0x80, v4, vm0, $0xb8;
	[tilespmem:$0x12000] =	vst v63  }
0x26: {  	s28 =	simm.s32 $0x3800  }
0x27: {  	[tilespmem:s28], [sflag:$0x1] =	stream.indirect_vreg.gather [hbm4b:s7+s3], $0x80, v4, vm0, $0xb8;
	[tilespmem:$0x12000] =	vst v63  }
0x28: {  	s29 =	simm.s32 $0x4000  }
0x29: {  	[tilespmem:s29], [sflag:$0x1] =	stream.indirect_vreg.gather [hbm4b:s1+s3], $0x80, v3, vm0, $0xb8;
	[tilespmem:$0x12000] =	vst v63  }
0x2a: {  	s24 =	simm.s32 $0x4800  }
0x2b: {  	[tilespmem:s24], [sflag:$0x1] =	stream.indirect_vreg.gather [hbm4b:s5+s3], $0x80, v3, vm0, $0xb8;
	[tilespmem:$0x12000] =	vst v63  }
0x2c: {  	s25 =	simm.s32 $0x5000  }
0x2d: {  	[tilespmem:s25], [sflag:$0x1] =	stream.indirect_vreg.gather [hbm4b:s6+s3], $0x80, v3, vm0, $0xb8;
	[tilespmem:$0x12000] =	vst v63  }
0x2e: {  	s28 =	simm.s32 $0x5800  }
0x2f: {  	[tilespmem:s28], [sflag:$0x1] =	stream.indirect_vreg.gather [hbm4b:s7+s3], $0x80, v3, vm0, $0xb8;
	[tilespmem:$0x12000] =	vst v63  }
0x30: {  	v3 =	vld [tilespmem:$0x80];
	_ =	sdelay $0x4  }
0x31: {  	v62 =	vshll.u32 v3, $0x3  }
0x32: {  	v3 =	vand.u32 $0x7, v3;
	v4 =	vand.u32 $0xFFFFFFC0, v62  }
0x33: {  	v3 =	vor.u32 v3, v4  }
0x34: {  	v4 =	vperm.xlane v3, v0;
	_ =	sdelay $0x1  }
0x35: {  	v4 =	vadd.s32 v1, v4;
	_ =	sdelay $0x4  }
0x36: {  	[tilespmem:s18], [sflag:$0x2] =	stream.indirect_vreg.gather [hbm4b:s1+s3], $0x80, v4, vm0, $0xb8;
	[tilespmem:$0x12000] =	vst v63  }
0x37: {  	s29 =	simm.s32 $0x6800;
	v3 =	vperm.xlane v3, v2  }
0x38: {  	[tilespmem:s29], [sflag:$0x2] =	stream.indirect_vreg.gather [hbm4b:s5+s3], $0x80, v4, vm0, $0xb8;
	[tilespmem:$0x12000] =	vst v63  }
0x39: {  	s24 =	simm.s32 $0x7000;
	v3 =	vadd.s32 v1, v3  }
0x3a: {  	[tilespmem:s24], [sflag:$0x2] =	stream.indirect_vreg.gather [hbm4b:s6+s3], $0x80, v4, vm0, $0xb8;
	[tilespmem:$0x12000] =	vst v63  }
0x3b: {  	s25 =	simm.s32 $0x7800  }
0x3c: {  	[tilespmem:s25], [sflag:$0x2] =	stream.indirect_vreg.gather [hbm4b:s7+s3], $0x80, v4, vm0, $0xb8;
	[tilespmem:$0x12000] =	vst v63  }
0x3d: {  	s28 =	simm.s32 $0x8000  }
0x3e: {  	[tilespmem:s28], [sflag:$0x2] =	stream.indirect_vreg.gather [hbm4b:s1+s3], $0x80, v3, vm0, $0xb8;
	[tilespmem:$0x12000] =	vst v63  }
0x3f: {  	s29 =	simm.s32 $0x8800  }
0x40: {  	[tilespmem:s29], [sflag:$0x2] =	stream.indirect_vreg.gather [hbm4b:s5+s3], $0x80, v3, vm0, $0xb8;
	[tilespmem:$0x12000] =	vst v63  }
0x41: {  	s24 =	simm.s32 $0x9000  }
0x42: {  	[tilespmem:s24], [sflag:$0x2] =	stream.indirect_vreg.gather [hbm4b:s6+s3], $0x80, v3, vm0, $0xb8;
	[tilespmem:$0x12000] =	vst v63  }
0x43: {  	s25 =	simm.s32 $0x9800  }
0x44: {  	[tilespmem:s25], [sflag:$0x2] =	stream.indirect_vreg.gather [hbm4b:s7+s3], $0x80, v3, vm0, $0xb8;
	[tilespmem:$0x12000] =	vst v63  }
0x45: {  	v3 =	vld [tilespmem:$0x100];
	_ =	sdelay $0x4  }
0x46: {  	v63 =	vshll.u32 v3, $0x3  }
0x47: {  	v3 =	vand.u32 $0x7, v3;
	v4 =	vand.u32 $0xFFFFFFC0, v63  }
0x48: {  	v3 =	vor.u32 v3, v4  }
0x49: {  	v4 =	vperm.xlane v3, v0;
	_ =	sdelay $0x1  }
0x4a: {  	v4 =	vadd.s32 v1, v4;
	_ =	sdelay $0x4  }
0x4b: {  	[tilespmem:s26], [sflag:$0x3] =	stream.indirect_vreg.gather [hbm4b:s1+s3], $0x80, v4, vm0, $0xb8;
	[tilespmem:$0x12000] =	vst v63  }
0x4c: {  	s28 =	simm.s32 $0xA800;
	v3 =	vperm.xlane v3, v2  }
0x4d: {  	[tilespmem:s28], [sflag:$0x3] =	stream.indirect_vreg.gather [hbm4b:s5+s3], $0x80, v4, vm0, $0xb8;
	[tilespmem:$0x12000] =	vst v63  }
0x4e: {  	s29 =	simm.s32 $0xB000;
	v3 =	vadd.s32 v1, v3  }
0x4f: {  	[tilespmem:s29], [sflag:$0x3] =	stream.indirect_vreg.gather [hbm4b:s6+s3], $0x80, v4, vm0, $0xb8;
	[tilespmem:$0x12000] =	vst v63  }
0x50: {  	_ = 	snop  }
0x51: {  	[tilespmem:s30], [sflag:$0x3] =	stream.indirect_vreg.gather [hbm4b:s7+s3], $0x80, v4, vm0, $0xb8;
	[tilespmem:$0x12000] =	vst v63  }
0x52: {  	_ = 	snop  }
0x53: {  	[tilespmem:s31], [sflag:$0x3] =	stream.indirect_vreg.gather [hbm4b:s1+s3], $0x80, v3, vm0, $0xb8;
	[tilespmem:$0x12000] =	vst v63  }
0x54: {  	_ = 	snop  }
0x55: {  	[tilespmem:s0], [sflag:$0x3] =	stream.indirect_vreg.gather [hbm4b:s5+s3], $0x80, v3, vm0, $0xb8;
	[tilespmem:$0x12000] =	vst v63  }
0x56: {  	_ = 	snop  }
0x57: {  	[tilespmem:s2], [sflag:$0x3] =	stream.indirect_vreg.gather [hbm4b:s6+s3], $0x80, v3, vm0, $0xb8;
	[tilespmem:$0x12000] =	vst v63  }
0x58: {  	s23 =	simm.s32 $0x300;
	s24 =	simm.s32 $0x0  }
0x59: {  	[tilespmem:s11], [sflag:$0x3] =	stream.indirect_vreg.gather [hbm4b:s7+s3], $0x80, v3, vm0, $0xb8;
	[tilespmem:$0x12000] =	vst v63  }
.LBB2_2:
0x5a: {  	p0 =	seq.s32 s24, $0x0  }
0x5b: {  	s25 =	simm.s32 @!p0 $0x8  }
0x5c: {  	_ =	swait.ge @!p0 [sflag:s25], $0x4000  }
0x5d: {  	[sflag:s25] =	ssyncset.done @!p0 $0x0  }
0x5e: {  	[sflag:s25] =	ssyncadd.s32 @!p0 $0xFFFFC000  }
0x5f: {  	v3 =	vld [tilespmem:s23+$0xFFFFFE80];
	_ =	sdelay $0x4  }
0x60: {  	v4 =	vshll.u32 v3, $0x3  }
0x61: {  	v3 =	vand.u32 $0x7, v3;
	v4 =	vand.u32 $0xFFFFFFC0, v4  }
0x62: {  	v3 =	vor.u32 v3, v4  }
0x63: {  	v4 =	vperm.xlane v3, v0;
	_ =	sdelay $0x1  }
0x64: {  	v4 =	vadd.s32 v1, v4;
	_ =	sdelay $0x4  }
0x65: {  	[tilespmem:s12], [sflag:$0x4] =	stream.indirect_vreg.gather [hbm4b:s1+s3], $0x80, v4, vm0, $0xb8;
	[tilespmem:$0x12000] =	vst v63  }
0x66: {  	s29 =	rddreg [dreg:$0x5];
	v3 =	vperm.xlane v3, v2  }
0x67: {  	[tilespmem:s29], [sflag:$0x4] =	stream.indirect_vreg.gather [hbm4b:s5+s3], $0x80, v4, vm0, $0xb8;
	[tilespmem:$0x12000] =	vst v63  }
0x68: {  	s28 =	rddreg [dreg:$0x6];
	v3 =	vadd.s32 v1, v3  }
0x69: {  	[tilespmem:s28], [sflag:$0x4] =	stream.indirect_vreg.gather [hbm4b:s6+s3], $0x80, v4, vm0, $0xb8;
	[tilespmem:$0x12000] =	vst v63  }
0x6a: {  	s29 =	rddreg [dreg:$0x7]  }
0x6b: {  	[tilespmem:s29], [sflag:$0x4] =	stream.indirect_vreg.gather [hbm4b:s7+s3], $0x80, v4, vm0, $0xb8;
	[tilespmem:$0x12000] =	vst v63  }
0x6c: {  	s28 =	rddreg [dreg:$0x8]  }
0x6d: {  	[tilespmem:s28], [sflag:$0x4] =	stream.indirect_vreg.gather [hbm4b:s1+s3], $0x80, v3, vm0, $0xb8;
	[tilespmem:$0x12000] =	vst v63  }
0x6e: {  	s29 =	rddreg [dreg:$0x9]  }
0x6f: {  	[tilespmem:s29], [sflag:$0x4] =	stream.indirect_vreg.gather [hbm4b:s5+s3], $0x80, v3, vm0, $0xb8;
	[tilespmem:$0x12000] =	vst v63  }
0x70: {  	s28 =	rddreg [dreg:$0xa]  }
0x71: {  	[tilespmem:s28], [sflag:$0x4] =	stream.indirect_vreg.gather [hbm4b:s6+s3], $0x80, v3, vm0, $0xb8;
	[tilespmem:$0x12000] =	vst v63  }
0x72: {  	s29 =	rddreg [dreg:$0xb]  }
0x73: {  	[tilespmem:s29], [sflag:$0x4] =	stream.indirect_vreg.gather [hbm4b:s7+s3], $0x80, v3, vm0, $0xb8;
	[tilespmem:$0x12000] =	vst v63  }
0x74: {  	_ =	swait.ge [sflag:s13], $0x4000  }
0x75: {  	s29 =	rddreg [dreg:$0x4];
	[sflag:s13] =	ssyncset.done $0x0  }
0x76: {  	[sflag:s13] =	ssyncadd.s32 $0xFFFFC000;
	s25 =	sadd.s32 s24, s29  }
0x77: {  	[hbm4b:s25+s3] =	stream.linear.scatter [tilespmem:s10], [sflag:$0x5], $0x4000, $0x38;
	[tilespmem:$0x12000] =	vst v63  }
0x78: {  	_ =	swait.ge [sflag:s14], $0x4000  }
0x79: {  	[sflag:s14] =	ssyncset.done $0x0  }
0x7a: {  	p0 =	seq.s32 s24, $0x1E000;
	[sflag:s14] =	ssyncadd.s32 $0xFFFFC000  }
0x7b: {  	v3 =	vld @!p0 [tilespmem:s23+$0xFFFFFF00];
	_ =	sdelay $0x4  }
0x7c: {  	v4 =	vshll.u32 @!p0 v3, $0x3  }
0x7d: {  	v5 =	vlaneseq.u32 @!p0;
	v3 =	vand.u32 @!p0 $0x7, v3;
	v4 =	vand.u32 @!p0 $0xFFFFFFC0, v4  }
0x7e: {  	v6 =	vshrl.u32 @!p0 v5, $0x3;
	v3 =	vor.u32 @!p0 v3, v4;
	v4 =	vand.u32 @!p0 $0x7, v5  }
0x7f: {  	v6 =	vmul.u32 @!p0 $0x8, v6;
	v7 =	vperm.xlane @!p0 v3, v4;
	_ =	sdelay $0x1  }
0x80: {  	v7 =	vadd.s32 @!p0 v6, v7;
	_ =	sdelay $0x3  }
0x81: {  	vm1 =	vmmov @!p0 $0xffff;
	s28 =	simm.s32 @!p0 $0x0;
	s29 =	simm.s32 @!p0 $0x2000  }
0x82: {  	v5 =	vor.u32 @!p0 $0x8, v5;
	[tilespmem:s29], [sflag:$0x1] =	stream.indirect_vreg.gather @!p0 [hbm4b:s1+s28], $0x80, v7, vm1, $0xb8;
	[tilespmem:$0x12000] =	vst v63  }
0x83: {  	v3 =	vperm.xlane @!p0 v3, v5;
	s29 =	simm.s32 @!p0 $0x2800  }
0x84: {  	[tilespmem:s29], [sflag:$0x1] =	stream.indirect_vreg.gather @!p0 [hbm4b:s5+s28], $0x80, v7, vm1, $0xb8;
	[tilespmem:$0x12000] =	vst v63  }
0x85: {  	v3 =	vadd.s32 @!p0 v6, v3;
	s29 =	simm.s32 @!p0 $0x3000  }
0x86: {  	[tilespmem:s29], [sflag:$0x1] =	stream.indirect_vreg.gather @!p0 [hbm4b:s6+s28], $0x80, v7, vm1, $0xb8;
	[tilespmem:$0x12000] =	vst v63  }
0x87: {  	s29 =	simm.s32 @!p0 $0x3800  }
0x88: {  	[tilespmem:s29], [sflag:$0x1] =	stream.indirect_vreg.gather @!p0 [hbm4b:s7+s28], $0x80, v7, vm1, $0xb8;
	[tilespmem:$0x12000] =	vst v63  }
0x89: {  	s29 =	simm.s32 @!p0 $0x4000  }
0x8a: {  	[tilespmem:s29], [sflag:$0x1] =	stream.indirect_vreg.gather @!p0 [hbm4b:s1+s28], $0x80, v3, vm1, $0xb8;
	[tilespmem:$0x12000] =	vst v63  }
0x8b: {  	s29 =	simm.s32 @!p0 $0x4800  }
0x8c: {  	[tilespmem:s29], [sflag:$0x1] =	stream.indirect_vreg.gather @!p0 [hbm4b:s5+s28], $0x80, v3, vm1, $0xb8;
	[tilespmem:$0x12000] =	vst v63  }
0x8d: {  	s29 =	simm.s32 @!p0 $0x5000  }
0x8e: {  	[tilespmem:s29], [sflag:$0x1] =	stream.indirect_vreg.gather @!p0 [hbm4b:s6+s28], $0x80, v3, vm1, $0xb8;
	[tilespmem:$0x12000] =	vst v63  }
0x8f: {  	s29 =	simm.s32 @!p0 $0x5800  }
0x90: {  	[tilespmem:s29], [sflag:$0x1] =	stream.indirect_vreg.gather @!p0 [hbm4b:s7+s28], $0x80, v3, vm1, $0xb8;
	[tilespmem:$0x12000] =	vst v63  }
0x91: {  	_ =	swait.ge [sflag:s15], $0x4000  }
0x92: {  	[sflag:s15] =	ssyncset.done $0x0  }
0x93: {  	s29 =	sadd.s32 $0x800, s25;
	[sflag:s15] =	ssyncadd.s32 $0xFFFFC000  }
0x94: {  	[hbm4b:s29+s3] =	stream.linear.scatter [tilespmem:s18], [sflag:$0x6], $0x4000, $0x38;
	[tilespmem:$0x12000] =	vst v63  }
0x95: {  	_ =	swait.ge [sflag:s16], $0x4000  }
0x96: {  	[sflag:s16] =	ssyncset.done $0x0  }
0x97: {  	[sflag:s16] =	ssyncadd.s32 $0xFFFFC000  }
0x98: {  	v3 =	vld @!p0 [tilespmem:s23+$0xFFFFFF80];
	_ =	sdelay $0x4  }
0x99: {  	v7 =	vshll.u32 @!p0 v3, $0x3  }
0x9a: {  	v3 =	vand.u32 @!p0 $0x7, v3;
	v7 =	vand.u32 @!p0 $0xFFFFFFC0, v7  }
0x9b: {  	v3 =	vor.u32 @!p0 v3, v7  }
0x9c: {  	v7 =	vperm.xlane @!p0 v3, v4;
	_ =	sdelay $0x1  }
0x9d: {  	v7 =	vadd.s32 @!p0 v6, v7;
	_ =	sdelay $0x3  }
0x9e: {  	s29 =	simm.s32 @!p0 $0x6000  }
0x9f: {  	[tilespmem:s29], [sflag:$0x2] =	stream.indirect_vreg.gather @!p0 [hbm4b:s1+s28], $0x80, v7, vm1, $0xb8;
	[tilespmem:$0x12000] =	vst v63  }
0xa0: {  	v3 =	vperm.xlane @!p0 v3, v5;
	s29 =	simm.s32 @!p0 $0x6800  }
0xa1: {  	[tilespmem:s29], [sflag:$0x2] =	stream.indirect_vreg.gather @!p0 [hbm4b:s5+s28], $0x80, v7, vm1, $0xb8;
	[tilespmem:$0x12000] =	vst v63  }
0xa2: {  	v3 =	vadd.s32 @!p0 v6, v3;
	s29 =	simm.s32 @!p0 $0x7000  }
0xa3: {  	[tilespmem:s29], [sflag:$0x2] =	stream.indirect_vreg.gather @!p0 [hbm4b:s6+s28], $0x80, v7, vm1, $0xb8;
	[tilespmem:$0x12000] =	vst v63  }
0xa4: {  	s29 =	simm.s32 @!p0 $0x7800  }
0xa5: {  	[tilespmem:s29], [sflag:$0x2] =	stream.indirect_vreg.gather @!p0 [hbm4b:s7+s28], $0x80, v7, vm1, $0xb8;
	[tilespmem:$0x12000] =	vst v63  }
0xa6: {  	s29 =	simm.s32 @!p0 $0x8000  }
0xa7: {  	[tilespmem:s29], [sflag:$0x2] =	stream.indirect_vreg.gather @!p0 [hbm4b:s1+s28], $0x80, v3, vm1, $0xb8;
	[tilespmem:$0x12000] =	vst v63  }
0xa8: {  	s29 =	simm.s32 @!p0 $0x8800  }
0xa9: {  	[tilespmem:s29], [sflag:$0x2] =	stream.indirect_vreg.gather @!p0 [hbm4b:s5+s28], $0x80, v3, vm1, $0xb8;
	[tilespmem:$0x12000] =	vst v63  }
0xaa: {  	s29 =	simm.s32 @!p0 $0x9000  }
0xab: {  	[tilespmem:s29], [sflag:$0x2] =	stream.indirect_vreg.gather @!p0 [hbm4b:s6+s28], $0x80, v3, vm1, $0xb8;
	[tilespmem:$0x12000] =	vst v63  }
0xac: {  	s29 =	simm.s32 @!p0 $0x9800  }
0xad: {  	[tilespmem:s29], [sflag:$0x2] =	stream.indirect_vreg.gather @!p0 [hbm4b:s7+s28], $0x80, v3, vm1, $0xb8;
	[tilespmem:$0x12000] =	vst v63  }
0xae: {  	_ =	swait.ge [sflag:s17], $0x4000  }
0xaf: {  	[sflag:s17] =	ssyncset.done $0x0  }
0xb0: {  	s29 =	sadd.s32 $0x1000, s25;
	[sflag:s17] =	ssyncadd.s32 $0xFFFFC000  }
0xb1: {  	[hbm4b:s29+s3] =	stream.linear.scatter [tilespmem:s26], [sflag:$0x7], $0x4000, $0x38;
	[tilespmem:$0x12000] =	vst v63  }
0xb2: {  	_ =	swait.ge [sflag:s19], $0x4000  }
0xb3: {  	[sflag:s19] =	ssyncset.done $0x0  }
0xb4: {  	[sflag:s19] =	ssyncadd.s32 $0xFFFFC000  }
0xb5: {  	v3 =	vld @!p0 [tilespmem:s23+$0x0];
	_ =	sdelay $0x4  }
0xb6: {  	v7 =	vshll.u32 @!p0 v3, $0x3  }
0xb7: {  	v3 =	vand.u32 @!p0 $0x7, v3;
	v7 =	vand.u32 @!p0 $0xFFFFFFC0, v7  }
0xb8: {  	v3 =	vor.u32 @!p0 v3, v7  }
0xb9: {  	v4 =	vperm.xlane @!p0 v3, v4;
	_ =	sdelay $0x1  }
0xba: {  	v4 =	vadd.s32 @!p0 v6, v4;
	_ =	sdelay $0x3  }
0xbb: {  	s29 =	simm.s32 @!p0 $0xA000  }
0xbc: {  	[tilespmem:s29], [sflag:$0x3] =	stream.indirect_vreg.gather @!p0 [hbm4b:s1+s28], $0x80, v4, vm1, $0xb8;
	[tilespmem:$0x12000] =	vst v63  }
0xbd: {  	v3 =	vperm.xlane @!p0 v3, v5;
	s29 =	simm.s32 @!p0 $0xA800  }
0xbe: {  	[tilespmem:s29], [sflag:$0x3] =	stream.indirect_vreg.gather @!p0 [hbm4b:s5+s28], $0x80, v4, vm1, $0xb8;
	[tilespmem:$0x12000] =	vst v63  }
0xbf: {  	v3 =	vadd.s32 @!p0 v6, v3;
	s29 =	simm.s32 @!p0 $0xB000  }
0xc0: {  	[tilespmem:s29], [sflag:$0x3] =	stream.indirect_vreg.gather @!p0 [hbm4b:s6+s28], $0x80, v4, vm1, $0xb8;
	[tilespmem:$0x12000] =	vst v63  }
0xc1: {  	s29 =	simm.s32 @!p0 $0xB800  }
0xc2: {  	[tilespmem:s29], [sflag:$0x3] =	stream.indirect_vreg.gather @!p0 [hbm4b:s7+s28], $0x80, v4, vm1, $0xb8;
	[tilespmem:$0x12000] =	vst v63  }
0xc3: {  	s29 =	simm.s32 @!p0 $0xC000  }
0xc4: {  	[tilespmem:s29], [sflag:$0x3] =	stream.indirect_vreg.gather @!p0 [hbm4b:s1+s28], $0x80, v3, vm1, $0xb8;
	[tilespmem:$0x12000] =	vst v63  }
0xc5: {  	s29 =	simm.s32 @!p0 $0xC800  }
0xc6: {  	[tilespmem:s29], [sflag:$0x3] =	stream.indirect_vreg.gather @!p0 [hbm4b:s5+s28], $0x80, v3, vm1, $0xb8;
	[tilespmem:$0x12000] =	vst v63  }
0xc7: {  	s29 =	simm.s32 @!p0 $0xD000  }
0xc8: {  	[tilespmem:s29], [sflag:$0x3] =	stream.indirect_vreg.gather @!p0 [hbm4b:s6+s28], $0x80, v3, vm1, $0xb8;
	[tilespmem:$0x12000] =	vst v63  }
0xc9: {  	s24 =	sadd.s32 $0x2000, s24;
	s29 =	simm.s32 @!p0 $0xD800  }
0xca: {  	[tilespmem:s29], [sflag:$0x3] =	stream.indirect_vreg.gather @!p0 [hbm4b:s7+s28], $0x80, v3, vm1, $0xb8;
	[tilespmem:$0x12000] =	vst v63  }
0xcb: {  	p0 =	sne.s32 s24, $0x20000  }
.Ltmp0:
0xcc: {  	_ = 	snop;
	(pc) =	sbr.rel @p0 .LBB2_2-.Ltmp0, $4  }
0xcd: {  	_ =	swait.ge [sflag:s20], $0x4000  }
0xce: {  	[sflag:s20] =	ssyncset.done $0x0  }
0xcf: {  	s25 =	sadd.s32 $0x1800, s25;
	s23 =	sadd.s32 $0x200, s23;
	[sflag:s20] =	ssyncadd.s32 $0xFFFFC000  }
0xd0: {  	[hbm4b:s25+s3] =	stream.linear.scatter [tilespmem:s12], [sflag:$0x8], $0x4000, $0x38;
	[tilespmem:$0x12000] =	vst v63  }
0xd1: {  	s22 =	sadd.s32 $0x1, s22  }
0xd2: {  	p0 =	sne.s32 s22, s8  }
.Ltmp1:
0xd3: {  	_ = 	snop;
	(pc) =	sbr.rel @p0 .LBB2_1-.Ltmp1, $4  }
0xd4: {  	_ = 	snop  }
0xd5: {  	_ =	swait.ge [sflag:s21], $0x4000  }
0xd6: {  	[sflag:s21] =	ssyncset.done $0x0  }
0xd7: {  	[sflag:s21] =	ssyncadd.s32 $0xFFFFC000  }
0xd8: {  	_ =	sfence.sel $0x180000  }
0xd9: {  	[bflag:$0x0] =	sbarrier.arrive $0xFFFF  }
0xda: {  	_ =	strace $0x90000047  }
0xdb: {  	s0 =	stileid.u32;
	[bflag:$0x2] =	sbarrier.arrive $0xFFFF  }
0xdc: {  	p0 =	sne.s32 s0, $0x0;
	s0 =	rddreg [dreg:$0x3]  }
0xdd: {  	s0 =	sadd.s32 @!p0 $0x100000, s0  }
0xde: {  	[sflag:s0] =	ssyncadd.tile.s32 @!p0 $0x1;
	_ =	shalt  }
.Lfunc_end2:
_tile_overlayer_lowered:
.L_overlay_start_2:
0xdf: {  	(tag) =	ssettag $0x2  }
0xe0: {  	s0 =	rddreg [dreg:$0x0];
	s2 =	stileid.u32  }
0xe1: {  	s1 =	rddreg [dreg:$0x1];
	p0 =	sne.s32 s2, $0x0  }
0xe2: {  	s3 =	rddreg [dreg:$0x2];
	[bflag:$0x3] =	sbarrier.arrive $0xFFFF;
	s2 =	simm.s32 @!p0 $0x1C09  }
0xe3: {  	[timem:s3], [sflag:s2] =	dma.local @!p0 [hbm:s0], s1  }
0xe4: {  	s0 =	simm.s32 @!p0 $0x9  }
0xe5: {  	_ =	swait.ge @!p0 [sflag:s0], s1  }
0xe6: {  	s1 =	ssub.s32 @!p0 $0x0, s1;
	[sflag:s0] =	ssyncset.done @!p0 $0x0  }
0xe7: {  	[sflag:s0] =	ssyncadd.s32 @!p0 s1  }
0xe8: {  	[bflag:$0x3] =	sbarrier.arrive $0xFFFF  }
0xe9: {  	_ =	shalt  }

</sc_bundles>
